<compile_context>
chip_gen: v7x
topology: tpu7x:2x2x1
jax: 0.10.2.dev20260603
libtpu: 0.0.44.dev20260713+nightly
codegen_flags: <defaults>
</compile_context>

<pallas_src>
import functools

import jax
import jax.numpy as jnp
from jax import lax
from jax.experimental import pallas as pl
from jax.experimental.pallas import tpu as pltpu
from jax.experimental.pallas import tpu_sc as plsc

B, SEQ, D = 32, 1, 1024
E_ROUTED, E_SHARED, H, TOP_K = 64, 2, 512, 2
T = B * SEQ
NEG = -3.0e38


def _router_body(x_ref, rw_ref, logits_ref, logits_t_ref, gdense_ref,
                 sched_ref, nact_ref):
    logits = jnp.dot(x_ref[...], rw_ref[...], preferred_element_type=jnp.float32)
    logits_ref[...] = logits
    logits_t_ref[...] = lax.dot_general(
        rw_ref[...], x_ref[...], (((0,), (1,)), ((), ())),
        preferred_element_type=jnp.float32)
    m = jnp.max(logits, axis=1, keepdims=True)
    e = jnp.exp(logits - m)
    p = e / jnp.sum(e, axis=1, keepdims=True)
    iota = jax.lax.broadcasted_iota(jnp.int32, (T, E_ROUTED), 1)
    m1 = jnp.max(p, axis=1, keepdims=True)
    i1 = jnp.min(jnp.where(p == m1, iota, E_ROUTED), axis=1, keepdims=True)
    sel1 = iota == i1
    p2 = jnp.where(sel1, -1.0, p)
    m2 = jnp.max(p2, axis=1, keepdims=True)
    i2 = jnp.min(jnp.where(p2 == m2, iota, E_ROUTED), axis=1, keepdims=True)
    sel2 = iota == i2
    gdense_ref[...] = jnp.where(sel1, m1, 0.0) + jnp.where(sel2, m2, 0.0)

    af = jnp.max(jnp.where(sel1 | sel2, 1.0, 0.0), axis=0, keepdims=True)
    rr = jax.lax.broadcasted_iota(jnp.int32, (E_ROUTED, E_ROUTED), 0)
    cc = jax.lax.broadcasted_iota(jnp.int32, (E_ROUTED, E_ROUTED), 1)
    lt = jnp.where(rr <= cc, 1.0, 0.0)
    incl = jnp.dot(af, lt, preferred_element_type=jnp.float32)
    pos = incl - af
    nact = incl[:, E_ROUTED - 1:E_ROUTED]
    er = jax.lax.broadcasted_iota(jnp.int32, (1, E_ROUTED), 1).astype(jnp.float32)
    hit_pe = jnp.where((rr.astype(jnp.float32) == pos) & (af > 0.0), 1.0, 0.0)
    sched_f = jnp.dot(hit_pe * er, jnp.ones((E_ROUTED, 1), jnp.float32),
                      preferred_element_type=jnp.float32)
    last = jnp.max(jnp.where(af > 0.0, er, -1.0), axis=1, keepdims=True)
    slot = jax.lax.broadcasted_iota(jnp.int32, (E_ROUTED, 1), 0).astype(jnp.float32)
    sched_ref[...] = jnp.where(slot < nact, sched_f, last).astype(jnp.int32)
    nact_ref[...] = nact.astype(jnp.int32)


def _routing_sc_body(lt_hbm, idx_hbm, gates_hbm, lt_v, idx_v, gates_v, sem):
    wid = lax.axis_index("s") * 2 + lax.axis_index("c")

    @pl.when(wid == 0)
    def _():
        pltpu.sync_copy(lt_hbm, lt_v)

        zf = jnp.zeros((16,), jnp.float32)
        zi = jnp.zeros((16,), jnp.int32)

        def top2_step(e, c):
            m1a, i1a, m2a, i2a, sa, m1b, i1b, m2b, i2b, sb = c
            ev = jnp.full((16,), e, jnp.int32)
            va = lt_v[e, pl.ds(0, 16)]
            vb = lt_v[e, pl.ds(16, 16)]
            g1 = va > m1a
            g2 = va > m2a
            mn = jnp.where(g1, va, m1a)
            sa = sa * jnp.exp(m1a - mn) + jnp.exp(va - mn)
            m2a = jnp.where(g1, m1a, jnp.where(g2, va, m2a))
            i2a = jnp.where(g1, i1a, jnp.where(g2, ev, i2a))
            m1a = mn
            i1a = jnp.where(g1, ev, i1a)
            g1 = vb > m1b
            g2 = vb > m2b
            mn = jnp.where(g1, vb, m1b)
            sb = sb * jnp.exp(m1b - mn) + jnp.exp(vb - mn)
            m2b = jnp.where(g1, m1b, jnp.where(g2, vb, m2b))
            i2b = jnp.where(g1, i1b, jnp.where(g2, ev, i2b))
            m1b = mn
            i1b = jnp.where(g1, ev, i1b)
            return (m1a, i1a, m2a, i2a, sa, m1b, i1b, m2b, i2b, sb)

        neg = jnp.full((16,), NEG, jnp.float32)
        m1a, i1a, m2a, i2a, sa, m1b, i1b, m2b, i2b, sb = lax.fori_loop(
            0, E_ROUTED, top2_step,
            (neg, zi, neg, zi, zf, neg, zi, neg, zi, zf), unroll=8)

        idx_v[0, pl.ds(0, 16)] = i1a
        idx_v[0, pl.ds(16, 16)] = i1b
        idx_v[1, pl.ds(0, 16)] = i2a
        idx_v[1, pl.ds(16, 16)] = i2b
        gates_v[0, pl.ds(0, 16)] = 1.0 / sa
        gates_v[0, pl.ds(16, 16)] = 1.0 / sb
        gates_v[1, pl.ds(0, 16)] = jnp.exp(m2a - m1a) / sa
        gates_v[1, pl.ds(16, 16)] = jnp.exp(m2b - m1b) / sb

        c1 = pltpu.async_copy(idx_v, idx_hbm, sem)
        c2 = pltpu.async_copy(gates_v, gates_hbm, sem)
        c1.wait()
        c2.wait()


@functools.cache
def _routing_sc():
    return functools.partial(
        pl.kernel,
        out_type=(
            jax.ShapeDtypeStruct((TOP_K, T), jnp.int32),
            jax.ShapeDtypeStruct((TOP_K, T), jnp.float32),
        ),
        mesh=plsc.VectorSubcoreMesh(core_axis_name="c", subcore_axis_name="s"),
        compiler_params=pltpu.CompilerParams(needs_layout_passes=False),
        scratch_types=[
            pltpu.VMEM((E_ROUTED, T), jnp.float32),
            pltpu.VMEM((TOP_K, T), jnp.int32),
            pltpu.VMEM((TOP_K, T), jnp.float32),
            pltpu.SemaphoreType.DMA,
        ],
    )(_routing_sc_body)


def _ffn(xb, wg_ref, wu_ref, wd_ref):
    hg = jnp.dot(xb, wg_ref.astype(jnp.bfloat16),
                 preferred_element_type=jnp.float32)
    hu = jnp.dot(xb, wu_ref.astype(jnp.bfloat16),
                 preferred_element_type=jnp.float32)
    h = hg * jax.lax.logistic(hg) * hu
    return jnp.dot(h.astype(jnp.bfloat16), wd_ref.astype(jnp.bfloat16),
                   preferred_element_type=jnp.float32)


def _moe_body(sched_ref, nact_ref, x_ref, g_ref,
              swg_ref, swu_ref, swd_ref, rwg_ref, rwu_ref, rwd_ref, out_ref):
    i = pl.program_id(0)
    xb = x_ref[...].astype(jnp.bfloat16)

    @pl.when(i == 0)
    def _shared():
        acc = jnp.zeros((T, D), jnp.float32)
        for e in range(E_SHARED):
            acc = acc + _ffn(xb, swg_ref[e], swu_ref[e], swd_ref[e])
        out_ref[...] = acc / float(E_SHARED)

    @pl.when(i < nact_ref[0])
    def _routed():
        eid = sched_ref[i]
        o = _ffn(xb, rwg_ref[0], rwu_ref[0], rwd_ref[0])
        iota = jax.lax.broadcasted_iota(jnp.int32, (T, E_ROUTED), 1)
        scale = jnp.sum(jnp.where(iota == eid, g_ref[...], 0.0),
                        axis=1, keepdims=True)
        out_ref[...] = out_ref[...] + o * scale


@jax.jit
def kernel(x, router_w, shared_wg, shared_wu, shared_wd,
           routed_wg, routed_wu, routed_wd):
    logits, logits_t, g_dense, sched_col, nact_col = pl.pallas_call(
        _router_body,
        out_shape=(
            jax.ShapeDtypeStruct((T, E_ROUTED), jnp.float32),
            jax.ShapeDtypeStruct((E_ROUTED, T), jnp.float32),
            jax.ShapeDtypeStruct((T, E_ROUTED), jnp.float32),
            jax.ShapeDtypeStruct((E_ROUTED, 1), jnp.int32),
            jax.ShapeDtypeStruct((1, 1), jnp.int32),
        ),
    )(x.reshape(T, D), router_w)

    idx_t, gates_t = _routing_sc()(logits_t)

    sched = sched_col.reshape(E_ROUTED)
    nact = nact_col.reshape(1)

    out = pl.pallas_call(
        _moe_body,
        grid_spec=pltpu.PrefetchScalarGridSpec(
            num_scalar_prefetch=2,
            grid=(E_ROUTED,),
            in_specs=[
                pl.BlockSpec((T, D), lambda i, sched, nact: (0, 0)),
                pl.BlockSpec((T, E_ROUTED), lambda i, sched, nact: (0, 0)),
                pl.BlockSpec((E_SHARED, D, H), lambda i, sched, nact: (0, 0, 0)),
                pl.BlockSpec((E_SHARED, D, H), lambda i, sched, nact: (0, 0, 0)),
                pl.BlockSpec((E_SHARED, H, D), lambda i, sched, nact: (0, 0, 0)),
                pl.BlockSpec((1, D, H), lambda i, sched, nact: (sched[i], 0, 0)),
                pl.BlockSpec((1, D, H), lambda i, sched, nact: (sched[i], 0, 0)),
                pl.BlockSpec((1, H, D), lambda i, sched, nact: (sched[i], 0, 0)),
            ],
            out_specs=pl.BlockSpec((T, D), lambda i, sched, nact: (0, 0)),
        ),
        out_shape=jax.ShapeDtypeStruct((T, D), jnp.float32),
        compiler_params=pltpu.CompilerParams(
            dimension_semantics=("arbitrary",),
        ),
    )(sched, nact, x.reshape(T, D), g_dense,
      shared_wg, shared_wu, shared_wd, routed_wg, routed_wu, routed_wd)

    idx_t, gates_t, out = lax.optimization_barrier((idx_t, gates_t, out))
    return out.reshape(B, SEQ, D), logits, idx_t.T, gates_t.T

# --- scband reference (transcript-rebuilt; emitter-appended) ---
"""Pipeline reference for scband-deep-seek-mo-e-40827959116491 (READ-ONLY COPY).

The authoritative reference and input builder live on the scoring server;
editing this copy changes nothing except your own understanding.
"""

import jax, jax.numpy as jnp
import numpy as np

B, SEQ, D = 32, 1, 1024
E_ROUTED, E_SHARED, H, TOP_K = 64, 2, 512, 2


def setup_inputs(seed: int = 0) -> dict:
    key = jax.random.key(seed)
    ks = jax.random.split(key, 8)
    x = jax.random.normal(ks[0], (B, SEQ, D), dtype=jnp.float32)
    router_w = jax.random.normal(ks[1], (D, E_ROUTED), dtype=jnp.float32) * (D ** -0.5)
    shared_wg = jax.random.normal(ks[2], (E_SHARED, D, H), dtype=jnp.float32) * 0.02
    shared_wu = jax.random.normal(ks[3], (E_SHARED, D, H), dtype=jnp.float32) * 0.02
    shared_wd = jax.random.normal(ks[4], (E_SHARED, H, D), dtype=jnp.float32) * 0.02
    routed_wg = jax.random.normal(ks[5], (E_ROUTED, D, H), dtype=jnp.float32) * 0.02
    routed_wu = jax.random.normal(ks[6], (E_ROUTED, D, H), dtype=jnp.float32) * 0.02
    routed_wd = jax.random.normal(ks[7], (E_ROUTED, H, D), dtype=jnp.float32) * 0.02
    return {
        "x": x,
        "router_w": router_w,
        "shared_wg": shared_wg,
        "shared_wu": shared_wu,
        "shared_wd": shared_wd,
        "routed_wg": routed_wg,
        "routed_wu": routed_wu,
        "routed_wd": routed_wd,
    }


def _expert_bank(xf, wg, wu, wd):
    # xf: [T, D]; wg/wu: [E, D, H]; wd: [E, H, D] -> [T, E, D]
    h_gate = jnp.einsum("td,edh->teh", xf, wg)
    h_up = jnp.einsum("td,edh->teh", xf, wu)
    h = jax.nn.silu(h_gate) * h_up
    return jnp.einsum("teh,ehd->ted", h, wd)


def reference(x, router_w, shared_wg, shared_wu, shared_wd, routed_wg, routed_wu, routed_wd):
    batch, seq_len, d_model = x.shape
    xf = x.reshape(-1, d_model)  # [T, D]
    T = xf.shape[0]
    n_routed = routed_wg.shape[0]

    # --- shared experts: always active, averaged ---
    shared_out = _expert_bank(xf, shared_wg, shared_wu, shared_wd).mean(axis=1)  # [T, D]

    # --- router: softmax then top-k ---
    router_logits = xf @ router_w  # [T, E]
    probs = jax.nn.softmax(router_logits, axis=-1)
    gates, indices = jax.lax.top_k(probs, TOP_K)  # [T, K], [T, K]

    # dense gate matrix via scatter-add (equivalent to the per-expert
    # torch.where(indices == i, gates, 0).sum(-1) loop)
    rows = jnp.arange(T)[:, None]
    g_dense = jnp.zeros((T, n_routed), dtype=xf.dtype).at[rows, indices].add(gates)  # [T, E]

    # apply every routed expert to all tokens (faithful to the reference loop),
    # then weight by the per-expert gate
    routed_all = _expert_bank(xf, routed_wg, routed_wu, routed_wd)  # [T, E, D]
    routed_out = jnp.einsum("te,ted->td", g_dense, routed_all)  # [T, D]

    output = (shared_out + routed_out).reshape(batch, seq_len, d_model)
    return output, router_logits, indices, gates

if __name__ == "__main__":
    import jax
    _d = setup_inputs()
    print(jax.jit(kernel)(*tuple(_d.values())))

</pallas_src>

<mosaic_0001>
#map = affine_map<(d0, d1) -> (0, 0)>
module attributes {stable_mosaic.version = 14 : i64} {
  func.func @_routing_sc_body(%arg0: i32, %arg1: i32, %arg2: memref<64x32xf32, #tpu.memory_space<hbm>>, %arg3: memref<2x32xi32, #tpu.memory_space<hbm>>, %arg4: memref<2x32xf32, #tpu.memory_space<hbm>>, %arg5: memref<64x32xf32, #tpu.memory_space<vmem>>, %arg6: memref<2x32xi32, #tpu.memory_space<vmem>>, %arg7: memref<2x32xf32, #tpu.memory_space<vmem>>, %arg8: memref<!tpu.dma_semaphore, #tpu.memory_space<semaphore_mem>>) attributes {dimension_semantics = [#tpu.dimension_semantics<core_parallel>, #tpu.dimension_semantics<subcore_parallel>], iteration_bounds = array<i64: 2, 16>, scalar_prefetch = 0 : i64, scratch_operands = 4 : i64, tpu.core_type = #tpu.core_type<sc_vector_subcore>, window_params = [{transform_indices = #map}, {transform_indices = #map}, {transform_indices = #map}]} {
    %mul3A = arith.constant 2 : i32
    %mul3A_0 = arith.muli %arg1, %mul3A : i32
    %add3A = arith.addi %mul3A_0, %arg0 : i32
    %eq3A = arith.constant 0 : i32
    %eq3A_1 = arith.cmpi eq, %add3A, %eq3A : i32
    %convert_element_type3A = arith.extui %eq3A_1 : i1 to i32
    %cond3A = arith.constant 0 : i32
    %cond3A_2 = arith.cmpi ne, %convert_element_type3A, %cond3A : i32
    scf.if %cond3A_2 {
      "tpu.region"() ({
        %run_scoped3A = tpu.sem_alloc : memref<!tpu.dma_semaphore, #tpu.memory_space<semaphore_mem>>
        tpu.enqueue_dma source(%arg2 : memref<64x32xf32, #tpu.memory_space<hbm>>) target(%arg5 : memref<64x32xf32, #tpu.memory_space<vmem>>) target_semaphore(%run_scoped3A : memref<!tpu.dma_semaphore, #tpu.memory_space<semaphore_mem>>)
        tpu.wait_dma2 semaphore(%run_scoped3A : memref<!tpu.dma_semaphore, #tpu.memory_space<semaphore_mem>>) src(%arg2 : memref<64x32xf32, #tpu.memory_space<hbm>>) dst(%arg5 : memref<64x32xf32, #tpu.memory_space<vmem>>)
        tpu.yield
      }) : () -> ()
      %broadcast_in_dim3A = arith.constant 0.000000e+00 : f32
      %broadcast_in_dim3A_3 = vector.broadcast %broadcast_in_dim3A : f32 to vector<16xf32>
      %broadcast_in_dim3A_4 = arith.constant 0 : i32
      %broadcast_in_dim3A_5 = vector.broadcast %broadcast_in_dim3A_4 : i32 to vector<16xi32>
      %broadcast_in_dim3A_6 = arith.constant -3.000000e+38 : f32
      %broadcast_in_dim3A_7 = vector.broadcast %broadcast_in_dim3A_6 : f32 to vector<16xf32>
      %scan3A = arith.constant 0 : i32
      %scan3A_8 = arith.constant 64 : i32
      %scan3A_9 = arith.addi %scan3A, %scan3A_8 : i32
      %scan3A_10 = arith.constant 8 : i32
      %scan3A_11:10 = scf.for %scan3A_53 = %scan3A to %scan3A_9 step %scan3A_10 iter_args(%scan3A_54 = %broadcast_in_dim3A_7, %scan3A_55 = %broadcast_in_dim3A_5, %scan3A_56 = %broadcast_in_dim3A_7, %scan3A_57 = %broadcast_in_dim3A_5, %scan3A_58 = %broadcast_in_dim3A_3, %scan3A_59 = %broadcast_in_dim3A_7, %scan3A_60 = %broadcast_in_dim3A_5, %scan3A_61 = %broadcast_in_dim3A_7, %scan3A_62 = %broadcast_in_dim3A_5, %scan3A_63 = %broadcast_in_dim3A_3) -> (vector<16xf32>, vector<16xi32>, vector<16xf32>, vector<16xi32>, vector<16xf32>, vector<16xf32>, vector<16xi32>, vector<16xf32>, vector<16xi32>, vector<16xf32>)  : i32 {
        %broadcast_in_dim3A_64 = vector.broadcast %scan3A_53 : i32 to vector<16xi32>
        %get3A = arith.index_cast %scan3A_53 : i32 to index
        %get3A_65 = arith.constant 0 : index
        %get3A_66 = tpu.vector_load %arg5[%get3A, %get3A_65] {strides = array<i32>} : memref<64x32xf32, #tpu.memory_space<vmem>>, vector<16xf32>,
        %get3A_67 = arith.index_cast %scan3A_53 : i32 to index
        %get3A_68 = arith.constant 16 : index
        %get3A_69 = tpu.vector_load %arg5[%get3A_67, %get3A_68] {strides = array<i32>} : memref<64x32xf32, #tpu.memory_space<vmem>>, vector<16xf32>,
        %gt3A = arith.cmpf ogt, %get3A_66, %scan3A_54 : vector<16xf32>
        %gt3A_70 = arith.cmpf ogt, %get3A_66, %scan3A_56 : vector<16xf32>
        %select_n3A = arith.select %gt3A, %get3A_66, %scan3A_54 : vector<16xi1>, vector<16xf32>
        %sub3A_71 = arith.subf %scan3A_54, %select_n3A : vector<16xf32>
        %exp3A_72 = math.exp %sub3A_71 : vector<16xf32>
        %mul3A_73 = arith.mulf %scan3A_58, %exp3A_72 : vector<16xf32>
        %sub3A_74 = arith.subf %get3A_66, %select_n3A : vector<16xf32>
        %exp3A_75 = math.exp %sub3A_74 : vector<16xf32>
        %add3A_76 = arith.addf %mul3A_73, %exp3A_75 : vector<16xf32>
        %select_n3A_77 = arith.select %gt3A_70, %get3A_66, %scan3A_56 : vector<16xi1>, vector<16xf32>
        %select_n3A_78 = arith.select %gt3A, %scan3A_54, %select_n3A_77 : vector<16xi1>, vector<16xf32>
        %select_n3A_79 = arith.select %gt3A_70, %broadcast_in_dim3A_64, %scan3A_57 : vector<16xi1>, vector<16xi32>
        %select_n3A_80 = arith.select %gt3A, %scan3A_55, %select_n3A_79 : vector<16xi1>, vector<16xi32>
        %select_n3A_81 = arith.select %gt3A, %broadcast_in_dim3A_64, %scan3A_55 : vector<16xi1>, vector<16xi32>
        %gt3A_82 = arith.cmpf ogt, %get3A_69, %scan3A_59 : vector<16xf32>
        %gt3A_83 = arith.cmpf ogt, %get3A_69, %scan3A_61 : vector<16xf32>
        %select_n3A_84 = arith.select %gt3A_82, %get3A_69, %scan3A_59 : vector<16xi1>, vector<16xf32>
        %sub3A_85 = arith.subf %scan3A_59, %select_n3A_84 : vector<16xf32>
        %exp3A_86 = math.exp %sub3A_85 : vector<16xf32>
        %mul3A_87 = arith.mulf %scan3A_63, %exp3A_86 : vector<16xf32>
        %sub3A_88 = arith.subf %get3A_69, %select_n3A_84 : vector<16xf32>
        %exp3A_89 = math.exp %sub3A_88 : vector<16xf32>
        %add3A_90 = arith.addf %mul3A_87, %exp3A_89 : vector<16xf32>
        %select_n3A_91 = arith.select %gt3A_83, %get3A_69, %scan3A_61 : vector<16xi1>, vector<16xf32>
        %select_n3A_92 = arith.select %gt3A_82, %scan3A_59, %select_n3A_91 : vector<16xi1>, vector<16xf32>
        %select_n3A_93 = arith.select %gt3A_83, %broadcast_in_dim3A_64, %scan3A_62 : vector<16xi1>, vector<16xi32>
        %select_n3A_94 = arith.select %gt3A_82, %scan3A_60, %select_n3A_93 : vector<16xi1>, vector<16xi32>
        %select_n3A_95 = arith.select %gt3A_82, %broadcast_in_dim3A_64, %scan3A_60 : vector<16xi1>, vector<16xi32>
        %scan3A_96 = arith.constant 1 : i32
        %scan3A_97 = arith.addi %scan3A_53, %scan3A_96 : i32
        %broadcast_in_dim3A_98 = vector.broadcast %scan3A_97 : i32 to vector<16xi32>
        %get3A_99 = arith.index_cast %scan3A_97 : i32 to index
        %get3A_100 = arith.constant 0 : index
        %get3A_101 = tpu.vector_load %arg5[%get3A_99, %get3A_100] {strides = array<i32>} : memref<64x32xf32, #tpu.memory_space<vmem>>, vector<16xf32>,
        %get3A_102 = arith.index_cast %scan3A_97 : i32 to index
        %get3A_103 = arith.constant 16 : index
        %get3A_104 = tpu.vector_load %arg5[%get3A_102, %get3A_103] {strides = array<i32>} : memref<64x32xf32, #tpu.memory_space<vmem>>, vector<16xf32>,
        %gt3A_105 = arith.cmpf ogt, %get3A_101, %select_n3A : vector<16xf32>
        %gt3A_106 = arith.cmpf ogt, %get3A_101, %select_n3A_78 : vector<16xf32>
        %select_n3A_107 = arith.select %gt3A_105, %get3A_101, %select_n3A : vector<16xi1>, vector<16xf32>
        %sub3A_108 = arith.subf %select_n3A, %select_n3A_107 : vector<16xf32>
        %exp3A_109 = math.exp %sub3A_108 : vector<16xf32>
        %mul3A_110 = arith.mulf %add3A_76, %exp3A_109 : vector<16xf32>
        %sub3A_111 = arith.subf %get3A_101, %select_n3A_107 : vector<16xf32>
        %exp3A_112 = math.exp %sub3A_111 : vector<16xf32>
        %add3A_113 = arith.addf %mul3A_110, %exp3A_112 : vector<16xf32>
        %select_n3A_114 = arith.select %gt3A_106, %get3A_101, %select_n3A_78 : vector<16xi1>, vector<16xf32>
        %select_n3A_115 = arith.select %gt3A_105, %select_n3A, %select_n3A_114 : vector<16xi1>, vector<16xf32>
        %select_n3A_116 = arith.select %gt3A_106, %broadcast_in_dim3A_98, %select_n3A_80 : vector<16xi1>, vector<16xi32>
        %select_n3A_117 = arith.select %gt3A_105, %select_n3A_81, %select_n3A_116 : vector<16xi1>, vector<16xi32>
        %select_n3A_118 = arith.select %gt3A_105, %broadcast_in_dim3A_98, %select_n3A_81 : vector<16xi1>, vector<16xi32>
        %gt3A_119 = arith.cmpf ogt, %get3A_104, %select_n3A_84 : vector<16xf32>
        %gt3A_120 = arith.cmpf ogt, %get3A_104, %select_n3A_92 : vector<16xf32>
        %select_n3A_121 = arith.select %gt3A_119, %get3A_104, %select_n3A_84 : vector<16xi1>, vector<16xf32>
        %sub3A_122 = arith.subf %select_n3A_84, %select_n3A_121 : vector<16xf32>
        %exp3A_123 = math.exp %sub3A_122 : vector<16xf32>
        %mul3A_124 = arith.mulf %add3A_90, %exp3A_123 : vector<16xf32>
        %sub3A_125 = arith.subf %get3A_104, %select_n3A_121 : vector<16xf32>
        %exp3A_126 = math.exp %sub3A_125 : vector<16xf32>
        %add3A_127 = arith.addf %mul3A_124, %exp3A_126 : vector<16xf32>
        %select_n3A_128 = arith.select %gt3A_120, %get3A_104, %select_n3A_92 : vector<16xi1>, vector<16xf32>
        %select_n3A_129 = arith.select %gt3A_119, %select_n3A_84, %select_n3A_128 : vector<16xi1>, vector<16xf32>
        %select_n3A_130 = arith.select %gt3A_120, %broadcast_in_dim3A_98, %select_n3A_94 : vector<16xi1>, vector<16xi32>
        %select_n3A_131 = arith.select %gt3A_119, %select_n3A_95, %select_n3A_130 : vector<16xi1>, vector<16xi32>
        %select_n3A_132 = arith.select %gt3A_119, %broadcast_in_dim3A_98, %select_n3A_95 : vector<16xi1>, vector<16xi32>
        %scan3A_133 = arith.constant 2 : i32
        %scan3A_134 = arith.addi %scan3A_53, %scan3A_133 : i32
        %broadcast_in_dim3A_135 = vector.broadcast %scan3A_134 : i32 to vector<16xi32>
        %get3A_136 = arith.index_cast %scan3A_134 : i32 to index
        %get3A_137 = arith.constant 0 : index
        %get3A_138 = tpu.vector_load %arg5[%get3A_136, %get3A_137] {strides = array<i32>} : memref<64x32xf32, #tpu.memory_space<vmem>>, vector<16xf32>,
        %get3A_139 = arith.index_cast %scan3A_134 : i32 to index
        %get3A_140 = arith.constant 16 : index
        %get3A_141 = tpu.vector_load %arg5[%get3A_139, %get3A_140] {strides = array<i32>} : memref<64x32xf32, #tpu.memory_space<vmem>>, vector<16xf32>,
        %gt3A_142 = arith.cmpf ogt, %get3A_138, %select_n3A_107 : vector<16xf32>
        %gt3A_143 = arith.cmpf ogt, %get3A_138, %select_n3A_115 : vector<16xf32>
        %select_n3A_144 = arith.select %gt3A_142, %get3A_138, %select_n3A_107 : vector<16xi1>, vector<16xf32>
        %sub3A_145 = arith.subf %select_n3A_107, %select_n3A_144 : vector<16xf32>
        %exp3A_146 = math.exp %sub3A_145 : vector<16xf32>
        %mul3A_147 = arith.mulf %add3A_113, %exp3A_146 : vector<16xf32>
        %sub3A_148 = arith.subf %get3A_138, %select_n3A_144 : vector<16xf32>
        %exp3A_149 = math.exp %sub3A_148 : vector<16xf32>
        %add3A_150 = arith.addf %mul3A_147, %exp3A_149 : vector<16xf32>
        %select_n3A_151 = arith.select %gt3A_143, %get3A_138, %select_n3A_115 : vector<16xi1>, vector<16xf32>
        %select_n3A_152 = arith.select %gt3A_142, %select_n3A_107, %select_n3A_151 : vector<16xi1>, vector<16xf32>
        %select_n3A_153 = arith.select %gt3A_143, %broadcast_in_dim3A_135, %select_n3A_117 : vector<16xi1>, vector<16xi32>
        %select_n3A_154 = arith.select %gt3A_142, %select_n3A_118, %select_n3A_153 : vector<16xi1>, vector<16xi32>
        %select_n3A_155 = arith.select %gt3A_142, %broadcast_in_dim3A_135, %select_n3A_118 : vector<16xi1>, vector<16xi32>
        %gt3A_156 = arith.cmpf ogt, %get3A_141, %select_n3A_121 : vector<16xf32>
        %gt3A_157 = arith.cmpf ogt, %get3A_141, %select_n3A_129 : vector<16xf32>
        %select_n3A_158 = arith.select %gt3A_156, %get3A_141, %select_n3A_121 : vector<16xi1>, vector<16xf32>
        %sub3A_159 = arith.subf %select_n3A_121, %select_n3A_158 : vector<16xf32>
        %exp3A_160 = math.exp %sub3A_159 : vector<16xf32>
        %mul3A_161 = arith.mulf %add3A_127, %exp3A_160 : vector<16xf32>
        %sub3A_162 = arith.subf %get3A_141, %select_n3A_158 : vector<16xf32>
        %exp3A_163 = math.exp %sub3A_162 : vector<16xf32>
        %add3A_164 = arith.addf %mul3A_161, %exp3A_163 : vector<16xf32>
        %select_n3A_165 = arith.select %gt3A_157, %get3A_141, %select_n3A_129 : vector<16xi1>, vector<16xf32>
        %select_n3A_166 = arith.select %gt3A_156, %select_n3A_121, %select_n3A_165 : vector<16xi1>, vector<16xf32>
        %select_n3A_167 = arith.select %gt3A_157, %broadcast_in_dim3A_135, %select_n3A_131 : vector<16xi1>, vector<16xi32>
        %select_n3A_168 = arith.select %gt3A_156, %select_n3A_132, %select_n3A_167 : vector<16xi1>, vector<16xi32>
        %select_n3A_169 = arith.select %gt3A_156, %broadcast_in_dim3A_135, %select_n3A_132 : vector<16xi1>, vector<16xi32>
        %scan3A_170 = arith.constant 3 : i32
        %scan3A_171 = arith.addi %scan3A_53, %scan3A_170 : i32
        %broadcast_in_dim3A_172 = vector.broadcast %scan3A_171 : i32 to vector<16xi32>
        %get3A_173 = arith.index_cast %scan3A_171 : i32 to index
        %get3A_174 = arith.constant 0 : index
        %get3A_175 = tpu.vector_load %arg5[%get3A_173, %get3A_174] {strides = array<i32>} : memref<64x32xf32, #tpu.memory_space<vmem>>, vector<16xf32>,
        %get3A_176 = arith.index_cast %scan3A_171 : i32 to index
        %get3A_177 = arith.constant 16 : index
        %get3A_178 = tpu.vector_load %arg5[%get3A_176, %get3A_177] {strides = array<i32>} : memref<64x32xf32, #tpu.memory_space<vmem>>, vector<16xf32>,
        %gt3A_179 = arith.cmpf ogt, %get3A_175, %select_n3A_144 : vector<16xf32>
        %gt3A_180 = arith.cmpf ogt, %get3A_175, %select_n3A_152 : vector<16xf32>
        %select_n3A_181 = arith.select %gt3A_179, %get3A_175, %select_n3A_144 : vector<16xi1>, vector<16xf32>
        %sub3A_182 = arith.subf %select_n3A_144, %select_n3A_181 : vector<16xf32>
        %exp3A_183 = math.exp %sub3A_182 : vector<16xf32>
        %mul3A_184 = arith.mulf %add3A_150, %exp3A_183 : vector<16xf32>
        %sub3A_185 = arith.subf %get3A_175, %select_n3A_181 : vector<16xf32>
        %exp3A_186 = math.exp %sub3A_185 : vector<16xf32>
        %add3A_187 = arith.addf %mul3A_184, %exp3A_186 : vector<16xf32>
        %select_n3A_188 = arith.select %gt3A_180, %get3A_175, %select_n3A_152 : vector<16xi1>, vector<16xf32>
        %select_n3A_189 = arith.select %gt3A_179, %select_n3A_144, %select_n3A_188 : vector<16xi1>, vector<16xf32>
        %select_n3A_190 = arith.select %gt3A_180, %broadcast_in_dim3A_172, %select_n3A_154 : vector<16xi1>, vector<16xi32>
        %select_n3A_191 = arith.select %gt3A_179, %select_n3A_155, %select_n3A_190 : vector<16xi1>, vector<16xi32>
        %select_n3A_192 = arith.select %gt3A_179, %broadcast_in_dim3A_172, %select_n3A_155 : vector<16xi1>, vector<16xi32>
        %gt3A_193 = arith.cmpf ogt, %get3A_178, %select_n3A_158 : vector<16xf32>
        %gt3A_194 = arith.cmpf ogt, %get3A_178, %select_n3A_166 : vector<16xf32>
        %select_n3A_195 = arith.select %gt3A_193, %get3A_178, %select_n3A_158 : vector<16xi1>, vector<16xf32>
        %sub3A_196 = arith.subf %select_n3A_158, %select_n3A_195 : vector<16xf32>
        %exp3A_197 = math.exp %sub3A_196 : vector<16xf32>
        %mul3A_198 = arith.mulf %add3A_164, %exp3A_197 : vector<16xf32>
        %sub3A_199 = arith.subf %get3A_178, %select_n3A_195 : vector<16xf32>
        %exp3A_200 = math.exp %sub3A_199 : vector<16xf32>
        %add3A_201 = arith.addf %mul3A_198, %exp3A_200 : vector<16xf32>
        %select_n3A_202 = arith.select %gt3A_194, %get3A_178, %select_n3A_166 : vector<16xi1>, vector<16xf32>
        %select_n3A_203 = arith.select %gt3A_193, %select_n3A_158, %select_n3A_202 : vector<16xi1>, vector<16xf32>
        %select_n3A_204 = arith.select %gt3A_194, %broadcast_in_dim3A_172, %select_n3A_168 : vector<16xi1>, vector<16xi32>
        %select_n3A_205 = arith.select %gt3A_193, %select_n3A_169, %select_n3A_204 : vector<16xi1>, vector<16xi32>
        %select_n3A_206 = arith.select %gt3A_193, %broadcast_in_dim3A_172, %select_n3A_169 : vector<16xi1>, vector<16xi32>
        %scan3A_207 = arith.constant 4 : i32
        %scan3A_208 = arith.addi %scan3A_53, %scan3A_207 : i32
        %broadcast_in_dim3A_209 = vector.broadcast %scan3A_208 : i32 to vector<16xi32>
        %get3A_210 = arith.index_cast %scan3A_208 : i32 to index
        %get3A_211 = arith.constant 0 : index
        %get3A_212 = tpu.vector_load %arg5[%get3A_210, %get3A_211] {strides = array<i32>} : memref<64x32xf32, #tpu.memory_space<vmem>>, vector<16xf32>,
        %get3A_213 = arith.index_cast %scan3A_208 : i32 to index
        %get3A_214 = arith.constant 16 : index
        %get3A_215 = tpu.vector_load %arg5[%get3A_213, %get3A_214] {strides = array<i32>} : memref<64x32xf32, #tpu.memory_space<vmem>>, vector<16xf32>,
        %gt3A_216 = arith.cmpf ogt, %get3A_212, %select_n3A_181 : vector<16xf32>
        %gt3A_217 = arith.cmpf ogt, %get3A_212, %select_n3A_189 : vector<16xf32>
        %select_n3A_218 = arith.select %gt3A_216, %get3A_212, %select_n3A_181 : vector<16xi1>, vector<16xf32>
        %sub3A_219 = arith.subf %select_n3A_181, %select_n3A_218 : vector<16xf32>
        %exp3A_220 = math.exp %sub3A_219 : vector<16xf32>
        %mul3A_221 = arith.mulf %add3A_187, %exp3A_220 : vector<16xf32>
        %sub3A_222 = arith.subf %get3A_212, %select_n3A_218 : vector<16xf32>
        %exp3A_223 = math.exp %sub3A_222 : vector<16xf32>
        %add3A_224 = arith.addf %mul3A_221, %exp3A_223 : vector<16xf32>
        %select_n3A_225 = arith.select %gt3A_217, %get3A_212, %select_n3A_189 : vector<16xi1>, vector<16xf32>
        %select_n3A_226 = arith.select %gt3A_216, %select_n3A_181, %select_n3A_225 : vector<16xi1>, vector<16xf32>
        %select_n3A_227 = arith.select %gt3A_217, %broadcast_in_dim3A_209, %select_n3A_191 : vector<16xi1>, vector<16xi32>
        %select_n3A_228 = arith.select %gt3A_216, %select_n3A_192, %select_n3A_227 : vector<16xi1>, vector<16xi32>
        %select_n3A_229 = arith.select %gt3A_216, %broadcast_in_dim3A_209, %select_n3A_192 : vector<16xi1>, vector<16xi32>
        %gt3A_230 = arith.cmpf ogt, %get3A_215, %select_n3A_195 : vector<16xf32>
        %gt3A_231 = arith.cmpf ogt, %get3A_215, %select_n3A_203 : vector<16xf32>
        %select_n3A_232 = arith.select %gt3A_230, %get3A_215, %select_n3A_195 : vector<16xi1>, vector<16xf32>
        %sub3A_233 = arith.subf %select_n3A_195, %select_n3A_232 : vector<16xf32>
        %exp3A_234 = math.exp %sub3A_233 : vector<16xf32>
        %mul3A_235 = arith.mulf %add3A_201, %exp3A_234 : vector<16xf32>
        %sub3A_236 = arith.subf %get3A_215, %select_n3A_232 : vector<16xf32>
        %exp3A_237 = math.exp %sub3A_236 : vector<16xf32>
        %add3A_238 = arith.addf %mul3A_235, %exp3A_237 : vector<16xf32>
        %select_n3A_239 = arith.select %gt3A_231, %get3A_215, %select_n3A_203 : vector<16xi1>, vector<16xf32>
        %select_n3A_240 = arith.select %gt3A_230, %select_n3A_195, %select_n3A_239 : vector<16xi1>, vector<16xf32>
        %select_n3A_241 = arith.select %gt3A_231, %broadcast_in_dim3A_209, %select_n3A_205 : vector<16xi1>, vector<16xi32>
        %select_n3A_242 = arith.select %gt3A_230, %select_n3A_206, %select_n3A_241 : vector<16xi1>, vector<16xi32>
        %select_n3A_243 = arith.select %gt3A_230, %broadcast_in_dim3A_209, %select_n3A_206 : vector<16xi1>, vector<16xi32>
        %scan3A_244 = arith.constant 5 : i32
        %scan3A_245 = arith.addi %scan3A_53, %scan3A_244 : i32
        %broadcast_in_dim3A_246 = vector.broadcast %scan3A_245 : i32 to vector<16xi32>
        %get3A_247 = arith.index_cast %scan3A_245 : i32 to index
        %get3A_248 = arith.constant 0 : index
        %get3A_249 = tpu.vector_load %arg5[%get3A_247, %get3A_248] {strides = array<i32>} : memref<64x32xf32, #tpu.memory_space<vmem>>, vector<16xf32>,
        %get3A_250 = arith.index_cast %scan3A_245 : i32 to index
        %get3A_251 = arith.constant 16 : index
        %get3A_252 = tpu.vector_load %arg5[%get3A_250, %get3A_251] {strides = array<i32>} : memref<64x32xf32, #tpu.memory_space<vmem>>, vector<16xf32>,
        %gt3A_253 = arith.cmpf ogt, %get3A_249, %select_n3A_218 : vector<16xf32>
        %gt3A_254 = arith.cmpf ogt, %get3A_249, %select_n3A_226 : vector<16xf32>
        %select_n3A_255 = arith.select %gt3A_253, %get3A_249, %select_n3A_218 : vector<16xi1>, vector<16xf32>
        %sub3A_256 = arith.subf %select_n3A_218, %select_n3A_255 : vector<16xf32>
        %exp3A_257 = math.exp %sub3A_256 : vector<16xf32>
        %mul3A_258 = arith.mulf %add3A_224, %exp3A_257 : vector<16xf32>
        %sub3A_259 = arith.subf %get3A_249, %select_n3A_255 : vector<16xf32>
        %exp3A_260 = math.exp %sub3A_259 : vector<16xf32>
        %add3A_261 = arith.addf %mul3A_258, %exp3A_260 : vector<16xf32>
        %select_n3A_262 = arith.select %gt3A_254, %get3A_249, %select_n3A_226 : vector<16xi1>, vector<16xf32>
        %select_n3A_263 = arith.select %gt3A_253, %select_n3A_218, %select_n3A_262 : vector<16xi1>, vector<16xf32>
        %select_n3A_264 = arith.select %gt3A_254, %broadcast_in_dim3A_246, %select_n3A_228 : vector<16xi1>, vector<16xi32>
        %select_n3A_265 = arith.select %gt3A_253, %select_n3A_229, %select_n3A_264 : vector<16xi1>, vector<16xi32>
        %select_n3A_266 = arith.select %gt3A_253, %broadcast_in_dim3A_246, %select_n3A_229 : vector<16xi1>, vector<16xi32>
        %gt3A_267 = arith.cmpf ogt, %get3A_252, %select_n3A_232 : vector<16xf32>
        %gt3A_268 = arith.cmpf ogt, %get3A_252, %select_n3A_240 : vector<16xf32>
        %select_n3A_269 = arith.select %gt3A_267, %get3A_252, %select_n3A_232 : vector<16xi1>, vector<16xf32>
        %sub3A_270 = arith.subf %select_n3A_232, %select_n3A_269 : vector<16xf32>
        %exp3A_271 = math.exp %sub3A_270 : vector<16xf32>
        %mul3A_272 = arith.mulf %add3A_238, %exp3A_271 : vector<16xf32>
        %sub3A_273 = arith.subf %get3A_252, %select_n3A_269 : vector<16xf32>
        %exp3A_274 = math.exp %sub3A_273 : vector<16xf32>
        %add3A_275 = arith.addf %mul3A_272, %exp3A_274 : vector<16xf32>
        %select_n3A_276 = arith.select %gt3A_268, %get3A_252, %select_n3A_240 : vector<16xi1>, vector<16xf32>
        %select_n3A_277 = arith.select %gt3A_267, %select_n3A_232, %select_n3A_276 : vector<16xi1>, vector<16xf32>
        %select_n3A_278 = arith.select %gt3A_268, %broadcast_in_dim3A_246, %select_n3A_242 : vector<16xi1>, vector<16xi32>
        %select_n3A_279 = arith.select %gt3A_267, %select_n3A_243, %select_n3A_278 : vector<16xi1>, vector<16xi32>
        %select_n3A_280 = arith.select %gt3A_267, %broadcast_in_dim3A_246, %select_n3A_243 : vector<16xi1>, vector<16xi32>
        %scan3A_281 = arith.constant 6 : i32
        %scan3A_282 = arith.addi %scan3A_53, %scan3A_281 : i32
        %broadcast_in_dim3A_283 = vector.broadcast %scan3A_282 : i32 to vector<16xi32>
        %get3A_284 = arith.index_cast %scan3A_282 : i32 to index
        %get3A_285 = arith.constant 0 : index
        %get3A_286 = tpu.vector_load %arg5[%get3A_284, %get3A_285] {strides = array<i32>} : memref<64x32xf32, #tpu.memory_space<vmem>>, vector<16xf32>,
        %get3A_287 = arith.index_cast %scan3A_282 : i32 to index
        %get3A_288 = arith.constant 16 : index
        %get3A_289 = tpu.vector_load %arg5[%get3A_287, %get3A_288] {strides = array<i32>} : memref<64x32xf32, #tpu.memory_space<vmem>>, vector<16xf32>,
        %gt3A_290 = arith.cmpf ogt, %get3A_286, %select_n3A_255 : vector<16xf32>
        %gt3A_291 = arith.cmpf ogt, %get3A_286, %select_n3A_263 : vector<16xf32>
        %select_n3A_292 = arith.select %gt3A_290, %get3A_286, %select_n3A_255 : vector<16xi1>, vector<16xf32>
        %sub3A_293 = arith.subf %select_n3A_255, %select_n3A_292 : vector<16xf32>
        %exp3A_294 = math.exp %sub3A_293 : vector<16xf32>
        %mul3A_295 = arith.mulf %add3A_261, %exp3A_294 : vector<16xf32>
        %sub3A_296 = arith.subf %get3A_286, %select_n3A_292 : vector<16xf32>
        %exp3A_297 = math.exp %sub3A_296 : vector<16xf32>
        %add3A_298 = arith.addf %mul3A_295, %exp3A_297 : vector<16xf32>
        %select_n3A_299 = arith.select %gt3A_291, %get3A_286, %select_n3A_263 : vector<16xi1>, vector<16xf32>
        %select_n3A_300 = arith.select %gt3A_290, %select_n3A_255, %select_n3A_299 : vector<16xi1>, vector<16xf32>
        %select_n3A_301 = arith.select %gt3A_291, %broadcast_in_dim3A_283, %select_n3A_265 : vector<16xi1>, vector<16xi32>
        %select_n3A_302 = arith.select %gt3A_290, %select_n3A_266, %select_n3A_301 : vector<16xi1>, vector<16xi32>
        %select_n3A_303 = arith.select %gt3A_290, %broadcast_in_dim3A_283, %select_n3A_266 : vector<16xi1>, vector<16xi32>
        %gt3A_304 = arith.cmpf ogt, %get3A_289, %select_n3A_269 : vector<16xf32>
        %gt3A_305 = arith.cmpf ogt, %get3A_289, %select_n3A_277 : vector<16xf32>
        %select_n3A_306 = arith.select %gt3A_304, %get3A_289, %select_n3A_269 : vector<16xi1>, vector<16xf32>
        %sub3A_307 = arith.subf %select_n3A_269, %select_n3A_306 : vector<16xf32>
        %exp3A_308 = math.exp %sub3A_307 : vector<16xf32>
        %mul3A_309 = arith.mulf %add3A_275, %exp3A_308 : vector<16xf32>
        %sub3A_310 = arith.subf %get3A_289, %select_n3A_306 : vector<16xf32>
        %exp3A_311 = math.exp %sub3A_310 : vector<16xf32>
        %add3A_312 = arith.addf %mul3A_309, %exp3A_311 : vector<16xf32>
        %select_n3A_313 = arith.select %gt3A_305, %get3A_289, %select_n3A_277 : vector<16xi1>, vector<16xf32>
        %select_n3A_314 = arith.select %gt3A_304, %select_n3A_269, %select_n3A_313 : vector<16xi1>, vector<16xf32>
        %select_n3A_315 = arith.select %gt3A_305, %broadcast_in_dim3A_283, %select_n3A_279 : vector<16xi1>, vector<16xi32>
        %select_n3A_316 = arith.select %gt3A_304, %select_n3A_280, %select_n3A_315 : vector<16xi1>, vector<16xi32>
        %select_n3A_317 = arith.select %gt3A_304, %broadcast_in_dim3A_283, %select_n3A_280 : vector<16xi1>, vector<16xi32>
        %scan3A_318 = arith.constant 7 : i32
        %scan3A_319 = arith.addi %scan3A_53, %scan3A_318 : i32
        %broadcast_in_dim3A_320 = vector.broadcast %scan3A_319 : i32 to vector<16xi32>
        %get3A_321 = arith.index_cast %scan3A_319 : i32 to index
        %get3A_322 = arith.constant 0 : index
        %get3A_323 = tpu.vector_load %arg5[%get3A_321, %get3A_322] {strides = array<i32>} : memref<64x32xf32, #tpu.memory_space<vmem>>, vector<16xf32>,
        %get3A_324 = arith.index_cast %scan3A_319 : i32 to index
        %get3A_325 = arith.constant 16 : index
        %get3A_326 = tpu.vector_load %arg5[%get3A_324, %get3A_325] {strides = array<i32>} : memref<64x32xf32, #tpu.memory_space<vmem>>, vector<16xf32>,
        %gt3A_327 = arith.cmpf ogt, %get3A_323, %select_n3A_292 : vector<16xf32>
        %gt3A_328 = arith.cmpf ogt, %get3A_323, %select_n3A_300 : vector<16xf32>
        %select_n3A_329 = arith.select %gt3A_327, %get3A_323, %select_n3A_292 : vector<16xi1>, vector<16xf32>
        %sub3A_330 = arith.subf %select_n3A_292, %select_n3A_329 : vector<16xf32>
        %exp3A_331 = math.exp %sub3A_330 : vector<16xf32>
        %mul3A_332 = arith.mulf %add3A_298, %exp3A_331 : vector<16xf32>
        %sub3A_333 = arith.subf %get3A_323, %select_n3A_329 : vector<16xf32>
        %exp3A_334 = math.exp %sub3A_333 : vector<16xf32>
        %add3A_335 = arith.addf %mul3A_332, %exp3A_334 : vector<16xf32>
        %select_n3A_336 = arith.select %gt3A_328, %get3A_323, %select_n3A_300 : vector<16xi1>, vector<16xf32>
        %select_n3A_337 = arith.select %gt3A_327, %select_n3A_292, %select_n3A_336 : vector<16xi1>, vector<16xf32>
        %select_n3A_338 = arith.select %gt3A_328, %broadcast_in_dim3A_320, %select_n3A_302 : vector<16xi1>, vector<16xi32>
        %select_n3A_339 = arith.select %gt3A_327, %select_n3A_303, %select_n3A_338 : vector<16xi1>, vector<16xi32>
        %select_n3A_340 = arith.select %gt3A_327, %broadcast_in_dim3A_320, %select_n3A_303 : vector<16xi1>, vector<16xi32>
        %gt3A_341 = arith.cmpf ogt, %get3A_326, %select_n3A_306 : vector<16xf32>
        %gt3A_342 = arith.cmpf ogt, %get3A_326, %select_n3A_314 : vector<16xf32>
        %select_n3A_343 = arith.select %gt3A_341, %get3A_326, %select_n3A_306 : vector<16xi1>, vector<16xf32>
        %sub3A_344 = arith.subf %select_n3A_306, %select_n3A_343 : vector<16xf32>
        %exp3A_345 = math.exp %sub3A_344 : vector<16xf32>
        %mul3A_346 = arith.mulf %add3A_312, %exp3A_345 : vector<16xf32>
        %sub3A_347 = arith.subf %get3A_326, %select_n3A_343 : vector<16xf32>
        %exp3A_348 = math.exp %sub3A_347 : vector<16xf32>
        %add3A_349 = arith.addf %mul3A_346, %exp3A_348 : vector<16xf32>
        %select_n3A_350 = arith.select %gt3A_342, %get3A_326, %select_n3A_314 : vector<16xi1>, vector<16xf32>
        %select_n3A_351 = arith.select %gt3A_341, %select_n3A_306, %select_n3A_350 : vector<16xi1>, vector<16xf32>
        %select_n3A_352 = arith.select %gt3A_342, %broadcast_in_dim3A_320, %select_n3A_316 : vector<16xi1>, vector<16xi32>
        %select_n3A_353 = arith.select %gt3A_341, %select_n3A_317, %select_n3A_352 : vector<16xi1>, vector<16xi32>
        %select_n3A_354 = arith.select %gt3A_341, %broadcast_in_dim3A_320, %select_n3A_317 : vector<16xi1>, vector<16xi32>
        scf.yield %select_n3A_329, %select_n3A_340, %select_n3A_337, %select_n3A_339, %add3A_335, %select_n3A_343, %select_n3A_354, %select_n3A_351, %select_n3A_353, %add3A_349 : vector<16xf32>, vector<16xi32>, vector<16xf32>, vector<16xi32>, vector<16xf32>, vector<16xf32>, vector<16xi32>, vector<16xf32>, vector<16xi32>, vector<16xf32>
      }
      %scan3A_12 = arith.constant 64 : i32
      %swap3A = arith.constant 0 : i32
      %swap3A_13 = arith.index_cast %swap3A : i32 to index
      %swap3A_14 = arith.constant 0 : index
      %swap3A_15 = tpu.vector_load %arg6[%swap3A_13, %swap3A_14] {strides = array<i32>} : memref<2x32xi32, #tpu.memory_space<vmem>>, vector<16xi32>,
      tpu.vector_store %arg6[%swap3A_13, %swap3A_14], %scan3A_11#1 {strides = array<i32>} : memref<2x32xi32, #tpu.memory_space<vmem>>, vector<16xi32>,
      %swap3A_16 = arith.constant 0 : i32
      %swap3A_17 = arith.index_cast %swap3A_16 : i32 to index
      %swap3A_18 = arith.constant 16 : index
      %swap3A_19 = tpu.vector_load %arg6[%swap3A_17, %swap3A_18] {strides = array<i32>} : memref<2x32xi32, #tpu.memory_space<vmem>>, vector<16xi32>,
      tpu.vector_store %arg6[%swap3A_17, %swap3A_18], %scan3A_11#6 {strides = array<i32>} : memref<2x32xi32, #tpu.memory_space<vmem>>, vector<16xi32>,
      %swap3A_20 = arith.constant 1 : i32
      %swap3A_21 = arith.index_cast %swap3A_20 : i32 to index
      %swap3A_22 = arith.constant 0 : index
      %swap3A_23 = tpu.vector_load %arg6[%swap3A_21, %swap3A_22] {strides = array<i32>} : memref<2x32xi32, #tpu.memory_space<vmem>>, vector<16xi32>,
      tpu.vector_store %arg6[%swap3A_21, %swap3A_22], %scan3A_11#3 {strides = array<i32>} : memref<2x32xi32, #tpu.memory_space<vmem>>, vector<16xi32>,
      %swap3A_24 = arith.constant 1 : i32
      %swap3A_25 = arith.index_cast %swap3A_24 : i32 to index
      %swap3A_26 = arith.constant 16 : index
      %swap3A_27 = tpu.vector_load %arg6[%swap3A_25, %swap3A_26] {strides = array<i32>} : memref<2x32xi32, #tpu.memory_space<vmem>>, vector<16xi32>,
      tpu.vector_store %arg6[%swap3A_25, %swap3A_26], %scan3A_11#8 {strides = array<i32>} : memref<2x32xi32, #tpu.memory_space<vmem>>, vector<16xi32>,
      %div3A = arith.constant 1.000000e+00 : f32
      %div3A_28 = vector.broadcast %div3A : f32 to vector<16xf32>
      %div3A_29 = arith.divf %div3A_28, %scan3A_11#4 : vector<16xf32>
      %swap3A_30 = arith.constant 0 : i32
      %swap3A_31 = arith.index_cast %swap3A_30 : i32 to index
      %swap3A_32 = arith.constant 0 : index
      %swap3A_33 = tpu.vector_load %arg7[%swap3A_31, %swap3A_32] {strides = array<i32>} : memref<2x32xf32, #tpu.memory_space<vmem>>, vector<16xf32>,
      tpu.vector_store %arg7[%swap3A_31, %swap3A_32], %div3A_29 {strides = array<i32>} : memref<2x32xf32, #tpu.memory_space<vmem>>, vector<16xf32>,
      %div3A_34 = arith.constant 1.000000e+00 : f32
      %div3A_35 = vector.broadcast %div3A_34 : f32 to vector<16xf32>
      %div3A_36 = arith.divf %div3A_35, %scan3A_11#9 : vector<16xf32>
      %swap3A_37 = arith.constant 0 : i32
      %swap3A_38 = arith.index_cast %swap3A_37 : i32 to index
      %swap3A_39 = arith.constant 16 : index
      %swap3A_40 = tpu.vector_load %arg7[%swap3A_38, %swap3A_39] {strides = array<i32>} : memref<2x32xf32, #tpu.memory_space<vmem>>, vector<16xf32>,
      tpu.vector_store %arg7[%swap3A_38, %swap3A_39], %div3A_36 {strides = array<i32>} : memref<2x32xf32, #tpu.memory_space<vmem>>, vector<16xf32>,
      %sub3A = arith.subf %scan3A_11#2, %scan3A_11#0 : vector<16xf32>
      %exp3A = math.exp %sub3A : vector<16xf32>
      %div3A_41 = arith.divf %exp3A, %scan3A_11#4 : vector<16xf32>
      %swap3A_42 = arith.constant 1 : i32
      %swap3A_43 = arith.index_cast %swap3A_42 : i32 to index
      %swap3A_44 = arith.constant 0 : index
      %swap3A_45 = tpu.vector_load %arg7[%swap3A_43, %swap3A_44] {strides = array<i32>} : memref<2x32xf32, #tpu.memory_space<vmem>>, vector<16xf32>,
      tpu.vector_store %arg7[%swap3A_43, %swap3A_44], %div3A_41 {strides = array<i32>} : memref<2x32xf32, #tpu.memory_space<vmem>>, vector<16xf32>,
      %sub3A_46 = arith.subf %scan3A_11#7, %scan3A_11#5 : vector<16xf32>
      %exp3A_47 = math.exp %sub3A_46 : vector<16xf32>
      %div3A_48 = arith.divf %exp3A_47, %scan3A_11#9 : vector<16xf32>
      %swap3A_49 = arith.constant 1 : i32
      %swap3A_50 = arith.index_cast %swap3A_49 : i32 to index
      %swap3A_51 = arith.constant 16 : index
      %swap3A_52 = tpu.vector_load %arg7[%swap3A_50, %swap3A_51] {strides = array<i32>} : memref<2x32xf32, #tpu.memory_space<vmem>>, vector<16xf32>,
      tpu.vector_store %arg7[%swap3A_50, %swap3A_51], %div3A_48 {strides = array<i32>} : memref<2x32xf32, #tpu.memory_space<vmem>>, vector<16xf32>,
      tpu.enqueue_dma source(%arg6 : memref<2x32xi32, #tpu.memory_space<vmem>>) target(%arg3 : memref<2x32xi32, #tpu.memory_space<hbm>>) target_semaphore(%arg8 : memref<!tpu.dma_semaphore, #tpu.memory_space<semaphore_mem>>)
      tpu.enqueue_dma source(%arg7 : memref<2x32xf32, #tpu.memory_space<vmem>>) target(%arg4 : memref<2x32xf32, #tpu.memory_space<hbm>>) target_semaphore(%arg8 : memref<!tpu.dma_semaphore, #tpu.memory_space<semaphore_mem>>)
      tpu.wait_dma2 semaphore(%arg8 : memref<!tpu.dma_semaphore, #tpu.memory_space<semaphore_mem>>) src(%arg6 : memref<2x32xi32, #tpu.memory_space<vmem>>) dst(%arg3 : memref<2x32xi32, #tpu.memory_space<hbm>>)
      tpu.wait_dma2 semaphore(%arg8 : memref<!tpu.dma_semaphore, #tpu.memory_space<semaphore_mem>>) src(%arg7 : memref<2x32xf32, #tpu.memory_space<vmem>>) dst(%arg4 : memref<2x32xf32, #tpu.memory_space<hbm>>)
    } else {
    }
    return
  }
}

module attributes {stable_mosaic.version = 14 : i64} {
  func.func @_router_body(%arg0: memref<32x1024xf32, #tpu.memory_space<vmem>>, %arg1: memref<1024x64xf32, #tpu.memory_space<vmem>>, %arg2: memref<32x64xf32, #tpu.memory_space<vmem>>, %arg3: memref<64x32xf32, #tpu.memory_space<vmem>>, %arg4: memref<32x64xf32, #tpu.memory_space<vmem>>, %arg5: memref<64x1xi32, #tpu.memory_space<vmem>>, %arg6: memref<1x1xi32, #tpu.memory_space<vmem>>) attributes {dimension_semantics = [], scalar_prefetch = 0 : i64, scratch_operands = 0 : i64, tpu.core_type = #tpu.core_type<tc>} {
    %get3A = arith.constant 0 : index
    %get3A_0 = arith.constant 0 : index
    %get3A_1 = vector.load %arg0[%get3A, %get3A_0] : memref<32x1024xf32, #tpu.memory_space<vmem>>, vector<32x1024xf32>
    %get3A_2 = arith.constant 0 : index
    %get3A_3 = arith.constant 0 : index
    %get3A_4 = vector.load %arg1[%get3A_2, %get3A_3] : memref<1024x64xf32, #tpu.memory_space<vmem>>, vector<1024x64xf32>
    %dot_general3A = arith.constant dense<0.000000e+00> : vector<32x64xf32>
    %dot_general3A_5 = tpu.matmul %get3A_1, %get3A_4, %dot_general3A {dimension_numbers = #tpu.dot_dimension_numbers<[1], [0], [0], [1], [0, 0, 1, 1], [], []>, transpose_lhs_hint = false} : vector<32x1024xf32>, vector<1024x64xf32>, vector<32x64xf32> -> vector<32x64xf32>
    %swap3A = arith.constant 0 : index
    %swap3A_6 = arith.constant 0 : index
    %swap3A_7 = vector.load %arg2[%swap3A, %swap3A_6] : memref<32x64xf32, #tpu.memory_space<vmem>>, vector<32x64xf32>
    tpu.vector_store %arg2[%swap3A, %swap3A_6], %dot_general3A_5 {strides = array<i32>} : memref<32x64xf32, #tpu.memory_space<vmem>>, vector<32x64xf32>,
    %get3A_8 = arith.constant 0 : index
    %get3A_9 = arith.constant 0 : index
    %get3A_10 = vector.load %arg1[%get3A_8, %get3A_9] : memref<1024x64xf32, #tpu.memory_space<vmem>>, vector<1024x64xf32>
    %get3A_11 = arith.constant 0 : index
    %get3A_12 = arith.constant 0 : index
    %get3A_13 = vector.load %arg0[%get3A_11, %get3A_12] : memref<32x1024xf32, #tpu.memory_space<vmem>>, vector<32x1024xf32>
    %dot_general3A_14 = arith.constant dense<0.000000e+00> : vector<64x32xf32>
    %dot_general3A_15 = tpu.matmul %get3A_10, %get3A_13, %dot_general3A_14 {dimension_numbers = #tpu.dot_dimension_numbers<[0], [1], [1], [0], [0, 1, 1, 0], [], []>, transpose_lhs_hint = false} : vector<1024x64xf32>, vector<32x1024xf32>, vector<64x32xf32> -> vector<64x32xf32>
    %swap3A_16 = arith.constant 0 : index
    %swap3A_17 = arith.constant 0 : index
    %swap3A_18 = vector.load %arg3[%swap3A_16, %swap3A_17] : memref<64x32xf32, #tpu.memory_space<vmem>>, vector<64x32xf32>
    tpu.vector_store %arg3[%swap3A_16, %swap3A_17], %dot_general3A_15 {strides = array<i32>} : memref<64x32xf32, #tpu.memory_space<vmem>>, vector<64x32xf32>,
    %reduce_max3A = arith.constant dense<0xFF800000> : vector<32xf32>
    %reduce_max3A_19 = vector.multi_reduction <maximumf>, %dot_general3A_5, %reduce_max3A [1] : vector<32x64xf32> to vector<32xf32>
    %broadcast_in_dim3A = vector.shape_cast %reduce_max3A_19 : vector<32xf32> to vector<32x1xf32>
    %sub3A = vector.broadcast %broadcast_in_dim3A : vector<32x1xf32> to vector<32x64xf32>
    %sub3A_20 = arith.subf %dot_general3A_5, %sub3A : vector<32x64xf32>
    %exp3A = math.exp %sub3A_20 : vector<32x64xf32>
    %reduce_sum3A = arith.constant dense<0.000000e+00> : vector<32xf32>
    %reduce_sum3A_21 = vector.multi_reduction <add>, %exp3A, %reduce_sum3A [1] : vector<32x64xf32> to vector<32xf32>
    %broadcast_in_dim3A_22 = vector.shape_cast %reduce_sum3A_21 : vector<32xf32> to vector<32x1xf32>
    %div3A = vector.broadcast %broadcast_in_dim3A_22 : vector<32x1xf32> to vector<32x64xf32>
    %div3A_23 = arith.divf %exp3A, %div3A : vector<32x64xf32>
    %iota3A = tpu.iota {dimensions = array<i32: 1>} : vector<32x64xi32>
    %reduce_max3A_24 = arith.constant dense<0xFF800000> : vector<32xf32>
    %reduce_max3A_25 = vector.multi_reduction <maximumf>, %div3A_23, %reduce_max3A_24 [1] : vector<32x64xf32> to vector<32xf32>
    %broadcast_in_dim3A_26 = vector.shape_cast %reduce_max3A_25 : vector<32xf32> to vector<32x1xf32>
    %eq3A = vector.broadcast %broadcast_in_dim3A_26 : vector<32x1xf32> to vector<32x64xf32>
    %eq3A_27 = arith.cmpf oeq, %div3A_23, %eq3A : vector<32x64xf32>
    %jit3A = arith.constant 64 : i32
    %broadcast_in_dim3A_28 = vector.broadcast %jit3A : i32 to vector<32x64xi32>
    %select_n3A = arith.select %eq3A_27, %iota3A, %broadcast_in_dim3A_28 : vector<32x64xi1>, vector<32x64xi32>
    %reduce_min3A = arith.constant dense<2147483647> : vector<32xi32>
    %reduce_min3A_29 = vector.multi_reduction <minsi>, %select_n3A, %reduce_min3A [1] : vector<32x64xi32> to vector<32xi32>
    %broadcast_in_dim3A_30 = vector.shape_cast %reduce_min3A_29 : vector<32xi32> to vector<32x1xi32>
    %eq3A_31 = vector.broadcast %broadcast_in_dim3A_30 : vector<32x1xi32> to vector<32x64xi32>
    %eq3A_32 = arith.cmpi eq, %iota3A, %eq3A_31 : vector<32x64xi32>
    %jit3A_33 = arith.constant -1.000000e+00 : f32
    %broadcast_in_dim3A_34 = vector.broadcast %jit3A_33 : f32 to vector<32x64xf32>
    %select_n3A_35 = arith.select %eq3A_32, %broadcast_in_dim3A_34, %div3A_23 : vector<32x64xi1>, vector<32x64xf32>
    %reduce_max3A_36 = arith.constant dense<0xFF800000> : vector<32xf32>
    %reduce_max3A_37 = vector.multi_reduction <maximumf>, %select_n3A_35, %reduce_max3A_36 [1] : vector<32x64xf32> to vector<32xf32>
    %broadcast_in_dim3A_38 = vector.shape_cast %reduce_max3A_37 : vector<32xf32> to vector<32x1xf32>
    %eq3A_39 = vector.broadcast %broadcast_in_dim3A_38 : vector<32x1xf32> to vector<32x64xf32>
    %eq3A_40 = arith.cmpf oeq, %select_n3A_35, %eq3A_39 : vector<32x64xf32>
    %jit3A_41 = arith.constant 64 : i32
    %broadcast_in_dim3A_42 = vector.broadcast %jit3A_41 : i32 to vector<32x64xi32>
    %select_n3A_43 = arith.select %eq3A_40, %iota3A, %broadcast_in_dim3A_42 : vector<32x64xi1>, vector<32x64xi32>
    %reduce_min3A_44 = arith.constant dense<2147483647> : vector<32xi32>
    %reduce_min3A_45 = vector.multi_reduction <minsi>, %select_n3A_43, %reduce_min3A_44 [1] : vector<32x64xi32> to vector<32xi32>
    %broadcast_in_dim3A_46 = vector.shape_cast %reduce_min3A_45 : vector<32xi32> to vector<32x1xi32>
    %eq3A_47 = vector.broadcast %broadcast_in_dim3A_46 : vector<32x1xi32> to vector<32x64xi32>
    %eq3A_48 = arith.cmpi eq, %iota3A, %eq3A_47 : vector<32x64xi32>
    %jit3A_49 = arith.constant 0.000000e+00 : f32
    %broadcast_in_dim3A_50 = vector.shape_cast %broadcast_in_dim3A_26 : vector<32x1xf32> to vector<32x1xf32>
    %broadcast_in_dim3A_51 = vector.broadcast %broadcast_in_dim3A_50 : vector<32x1xf32> to vector<32x64xf32>
    %broadcast_in_dim3A_52 = vector.broadcast %jit3A_49 : f32 to vector<32x64xf32>
    %select_n3A_53 = arith.select %eq3A_32, %broadcast_in_dim3A_51, %broadcast_in_dim3A_52 : vector<32x64xi1>, vector<32x64xf32>
    %jit3A_54 = arith.constant 0.000000e+00 : f32
    %broadcast_in_dim3A_55 = vector.shape_cast %broadcast_in_dim3A_38 : vector<32x1xf32> to vector<32x1xf32>
    %broadcast_in_dim3A_56 = vector.broadcast %broadcast_in_dim3A_55 : vector<32x1xf32> to vector<32x64xf32>
    %broadcast_in_dim3A_57 = vector.broadcast %jit3A_54 : f32 to vector<32x64xf32>
    %select_n3A_58 = arith.select %eq3A_48, %broadcast_in_dim3A_56, %broadcast_in_dim3A_57 : vector<32x64xi1>, vector<32x64xf32>
    %add3A = arith.addf %select_n3A_53, %select_n3A_58 : vector<32x64xf32>
    %swap3A_59 = arith.constant 0 : index
    %swap3A_60 = arith.constant 0 : index
    %swap3A_61 = vector.load %arg4[%swap3A_59, %swap3A_60] : memref<32x64xf32, #tpu.memory_space<vmem>>, vector<32x64xf32>
    tpu.vector_store %arg4[%swap3A_59, %swap3A_60], %add3A {strides = array<i32>} : memref<32x64xf32, #tpu.memory_space<vmem>>, vector<32x64xf32>,
    %or3A = arith.ori %eq3A_32, %eq3A_48 : vector<32x64xi1>
    %jit3A_62 = arith.constant 1.000000e+00 : f32
    %jit3A_63 = arith.constant 0.000000e+00 : f32
    %broadcast_in_dim3A_64 = vector.broadcast %jit3A_62 : f32 to vector<32x64xf32>
    %broadcast_in_dim3A_65 = vector.broadcast %jit3A_63 : f32 to vector<32x64xf32>
    %select_n3A_66 = arith.select %or3A, %broadcast_in_dim3A_64, %broadcast_in_dim3A_65 : vector<32x64xi1>, vector<32x64xf32>
    %reduce_max3A_67 = arith.constant dense<0xFF800000> : vector<64xf32>
    %reduce_max3A_68 = vector.multi_reduction <maximumf>, %select_n3A_66, %reduce_max3A_67 [0] : vector<32x64xf32> to vector<64xf32>
    %broadcast_in_dim3A_69 = vector.shape_cast %reduce_max3A_68 : vector<64xf32> to vector<1x64xf32>
    %iota3A_70 = tpu.iota {dimensions = array<i32: 0>} : vector<64x64xi32>
    %iota3A_71 = tpu.iota {dimensions = array<i32: 1>} : vector<64x64xi32>
    %le3A = arith.cmpi sle, %iota3A_70, %iota3A_71 : vector<64x64xi32>
    %jit3A_72 = arith.constant 1.000000e+00 : f32
    %jit3A_73 = arith.constant 0.000000e+00 : f32
    %broadcast_in_dim3A_74 = vector.broadcast %jit3A_72 : f32 to vector<64x64xf32>
    %broadcast_in_dim3A_75 = vector.broadcast %jit3A_73 : f32 to vector<64x64xf32>
    %select_n3A_76 = arith.select %le3A, %broadcast_in_dim3A_74, %broadcast_in_dim3A_75 : vector<64x64xi1>, vector<64x64xf32>
    %dot_general3A_77 = arith.constant dense<0.000000e+00> : vector<1x64xf32>
    %dot_general3A_78 = tpu.matmul %broadcast_in_dim3A_69, %select_n3A_76, %dot_general3A_77 {dimension_numbers = #tpu.dot_dimension_numbers<[1], [0], [0], [1], [0, 0, 1, 1], [], []>, transpose_lhs_hint = false} : vector<1x64xf32>, vector<64x64xf32>, vector<1x64xf32> -> vector<1x64xf32>
    %sub3A_79 = arith.subf %dot_general3A_78, %broadcast_in_dim3A_69 : vector<1x64xf32>
    %slice3A = vector.extract_strided_slice %dot_general3A_78 {offsets = [0, 63], sizes = [1, 1], strides = [1, 1]} : vector<1x64xf32> to vector<1x1xf32>
    %iota3A_80 = tpu.iota {dimensions = array<i32: 1>} : vector<1x64xi32>
    %convert_element_type3A = arith.sitofp %iota3A_80 : vector<1x64xi32> to vector<1x64xf32>
    %convert_element_type3A_81 = arith.sitofp %iota3A_70 : vector<64x64xi32> to vector<64x64xf32>
    %eq3A_82 = vector.broadcast %sub3A_79 : vector<1x64xf32> to vector<64x64xf32>
    %eq3A_83 = arith.cmpf oeq, %convert_element_type3A_81, %eq3A_82 : vector<64x64xf32>
    %gt3A = arith.constant 0.000000e+00 : f32
    %gt3A_84 = vector.broadcast %gt3A : f32 to vector<1x64xf32>
    %gt3A_85 = arith.cmpf ogt, %broadcast_in_dim3A_69, %gt3A_84 : vector<1x64xf32>
    %and3A = vector.broadcast %gt3A_85 : vector<1x64xi1> to vector<64x64xi1>
    %and3A_86 = arith.andi %eq3A_83, %and3A : vector<64x64xi1>
    %jit3A_87 = arith.constant 1.000000e+00 : f32
    %jit3A_88 = arith.constant 0.000000e+00 : f32
    %broadcast_in_dim3A_89 = vector.broadcast %jit3A_87 : f32 to vector<64x64xf32>
    %broadcast_in_dim3A_90 = vector.broadcast %jit3A_88 : f32 to vector<64x64xf32>
    %select_n3A_91 = arith.select %and3A_86, %broadcast_in_dim3A_89, %broadcast_in_dim3A_90 : vector<64x64xi1>, vector<64x64xf32>
    %mul3A = vector.broadcast %convert_element_type3A : vector<1x64xf32> to vector<64x64xf32>
    %mul3A_92 = arith.mulf %select_n3A_91, %mul3A : vector<64x64xf32>
    %broadcast_in_dim3A_93 = arith.constant 1.000000e+00 : f32
    %broadcast_in_dim3A_94 = vector.broadcast %broadcast_in_dim3A_93 : f32 to vector<64x1xf32>
    %dot_general3A_95 = arith.constant dense<0.000000e+00> : vector<64x1xf32>
    %dot_general3A_96 = tpu.matmul %mul3A_92, %broadcast_in_dim3A_94, %dot_general3A_95 {dimension_numbers = #tpu.dot_dimension_numbers<[1], [0], [0], [1], [0, 0, 1, 1], [], []>, transpose_lhs_hint = false} : vector<64x64xf32>, vector<64x1xf32>, vector<64x1xf32> -> vector<64x1xf32>
    %gt3A_97 = arith.constant 0.000000e+00 : f32
    %gt3A_98 = vector.broadcast %gt3A_97 : f32 to vector<1x64xf32>
    %gt3A_99 = arith.cmpf ogt, %broadcast_in_dim3A_69, %gt3A_98 : vector<1x64xf32>
    %jit3A_100 = arith.constant -1.000000e+00 : f32
    %broadcast_in_dim3A_101 = vector.broadcast %jit3A_100 : f32 to vector<1x64xf32>
    %select_n3A_102 = arith.select %gt3A_99, %convert_element_type3A, %broadcast_in_dim3A_101 : vector<1x64xi1>, vector<1x64xf32>
    %reduce_max3A_103 = arith.constant dense<0xFF800000> : vector<1xf32>
    %reduce_max3A_104 = vector.multi_reduction <maximumf>, %select_n3A_102, %reduce_max3A_103 [1] : vector<1x64xf32> to vector<1xf32>
    %broadcast_in_dim3A_105 = vector.shape_cast %reduce_max3A_104 : vector<1xf32> to vector<1x1xf32>
    %iota3A_106 = tpu.iota {dimensions = array<i32: 0>} : vector<64x1xi32>
    %convert_element_type3A_107 = arith.sitofp %iota3A_106 : vector<64x1xi32> to vector<64x1xf32>
    %lt3A = vector.broadcast %slice3A : vector<1x1xf32> to vector<64x1xf32>
    %lt3A_108 = arith.cmpf olt, %convert_element_type3A_107, %lt3A : vector<64x1xf32>
    %broadcast_in_dim3A_109 = vector.shape_cast %broadcast_in_dim3A_105 : vector<1x1xf32> to vector<1x1xf32>
    %broadcast_in_dim3A_110 = vector.broadcast %broadcast_in_dim3A_109 : vector<1x1xf32> to vector<64x1xf32>
    %select_n3A_111 = arith.select %lt3A_108, %dot_general3A_96, %broadcast_in_dim3A_110 : vector<64x1xi1>, vector<64x1xf32>
    %convert_element_type3A_112 = arith.fptosi %select_n3A_111 : vector<64x1xf32> to vector<64x1xi32>
    %swap3A_113 = arith.constant 0 : index
    %swap3A_114 = arith.constant 0 : index
    %swap3A_115 = vector.load %arg5[%swap3A_113, %swap3A_114] : memref<64x1xi32, #tpu.memory_space<vmem>>, vector<64x1xi32>
    tpu.vector_store %arg5[%swap3A_113, %swap3A_114], %convert_element_type3A_112 {strides = array<i32>} : memref<64x1xi32, #tpu.memory_space<vmem>>, vector<64x1xi32>,
    %convert_element_type3A_116 = arith.fptosi %slice3A : vector<1x1xf32> to vector<1x1xi32>
    %swap3A_117 = arith.constant 0 : index
    %swap3A_118 = arith.constant 0 : index
    %swap3A_119 = vector.load %arg6[%swap3A_117, %swap3A_118] : memref<1x1xi32, #tpu.memory_space<vmem>>, vector<1x1xi32>
    tpu.vector_store %arg6[%swap3A_117, %swap3A_118], %convert_element_type3A_116 {strides = array<i32>} : memref<1x1xi32, #tpu.memory_space<vmem>>, vector<1x1xi32>,
    return
  }
}

module attributes {stable_mosaic.version = 14 : i64} {
  func.func @_moe_body(%arg0: i32, %arg1: memref<64xi32, #tpu.memory_space<smem>>, %arg2: memref<1xi32, #tpu.memory_space<smem>>, %arg3: memref<32x1024xf32, #tpu.memory_space<vmem>>, %arg4: memref<32x64xf32, #tpu.memory_space<vmem>>, %arg5: memref<2x1024x512xf32, #tpu.memory_space<vmem>>, %arg6: memref<2x1024x512xf32, #tpu.memory_space<vmem>>, %arg7: memref<2x512x1024xf32, #tpu.memory_space<vmem>>, %arg8: memref<1x1024x512xf32, #tpu.memory_space<vmem>>, %arg9: memref<1x1024x512xf32, #tpu.memory_space<vmem>>, %arg10: memref<1x512x1024xf32, #tpu.memory_space<vmem>>, %arg11: memref<32x1024xf32, #tpu.memory_space<vmem>>) attributes {dimension_semantics = [#tpu.dimension_semantics<arbitrary>], iteration_bounds = array<i64: 64>, scalar_prefetch = 2 : i64, scratch_operands = 0 : i64, tpu.core_type = #tpu.core_type<tc>, window_params = [{pipeline_mode = #tpu.pipeline_mode<synchronous>, transform_indices = @transform_0, window_bounds = array<i64: 32, 1024>}, {pipeline_mode = #tpu.pipeline_mode<synchronous>, transform_indices = @transform_1, window_bounds = array<i64: 32, 64>}, {pipeline_mode = #tpu.pipeline_mode<synchronous>, transform_indices = @transform_2, window_bounds = array<i64: 2, 1024, 512>}, {pipeline_mode = #tpu.pipeline_mode<synchronous>, transform_indices = @transform_3, window_bounds = array<i64: 2, 1024, 512>}, {pipeline_mode = #tpu.pipeline_mode<synchronous>, transform_indices = @transform_4, window_bounds = array<i64: 2, 512, 1024>}, {transform_indices = @transform_5, window_bounds = array<i64: 1, 1024, 512>}, {transform_indices = @transform_6, window_bounds = array<i64: 1, 1024, 512>}, {transform_indices = @transform_7, window_bounds = array<i64: 1, 512, 1024>}, {pipeline_mode = #tpu.pipeline_mode<synchronous>, transform_indices = @transform_8, window_bounds = array<i64: 32, 1024>}]} {
    %get3A = arith.constant 0 : index
    %get3A_0 = arith.constant 0 : index
    %get3A_1 = vector.load %arg3[%get3A, %get3A_0] : memref<32x1024xf32, #tpu.memory_space<vmem>>, vector<32x1024xf32>
    %convert_element_type3A = arith.truncf %get3A_1 : vector<32x1024xf32> to vector<32x1024xbf16>
    %eq3A = arith.constant 0 : i32
    %eq3A_2 = arith.cmpi eq, %arg0, %eq3A : i32
    %convert_element_type3A_3 = arith.extui %eq3A_2 : i1 to i32
    %cond3A = arith.constant 0 : i32
    %cond3A_4 = arith.cmpi ne, %convert_element_type3A_3, %cond3A : i32
    scf.if %cond3A_4 {
      %broadcast_in_dim3A = arith.constant 0.000000e+00 : f32
      %broadcast_in_dim3A_10 = vector.broadcast %broadcast_in_dim3A : f32 to vector<32x1024xf32>
      %get3A_11 = arith.constant 0 : index
      %get3A_12 = arith.constant 0 : index
      %get3A_13 = arith.constant 0 : index
      %get3A_14 = vector.load %arg5[%get3A_11, %get3A_12, %get3A_13] : memref<2x1024x512xf32, #tpu.memory_space<vmem>>, vector<1x1024x512xf32>
      %get3A_15 = vector.shape_cast %get3A_14 : vector<1x1024x512xf32> to vector<1024x512xf32>
      %get3A_16 = arith.constant 0 : index
      %get3A_17 = arith.constant 0 : index
      %get3A_18 = arith.constant 0 : index
      %get3A_19 = vector.load %arg6[%get3A_16, %get3A_17, %get3A_18] : memref<2x1024x512xf32, #tpu.memory_space<vmem>>, vector<1x1024x512xf32>
      %get3A_20 = vector.shape_cast %get3A_19 : vector<1x1024x512xf32> to vector<1024x512xf32>
      %get3A_21 = arith.constant 0 : index
      %get3A_22 = arith.constant 0 : index
      %get3A_23 = arith.constant 0 : index
      %get3A_24 = vector.load %arg7[%get3A_21, %get3A_22, %get3A_23] : memref<2x512x1024xf32, #tpu.memory_space<vmem>>, vector<1x512x1024xf32>
      %get3A_25 = vector.shape_cast %get3A_24 : vector<1x512x1024xf32> to vector<512x1024xf32>
      %convert_element_type3A_26 = arith.truncf %get3A_15 : vector<1024x512xf32> to vector<1024x512xbf16>
      %dot_general3A = arith.constant dense<0.000000e+00> : vector<32x512xf32>
      %dot_general3A_27 = tpu.matmul %convert_element_type3A, %convert_element_type3A_26, %dot_general3A {dimension_numbers = #tpu.dot_dimension_numbers<[1], [0], [0], [1], [0, 0, 1, 1], [], []>, transpose_lhs_hint = false} : vector<32x1024xbf16>, vector<1024x512xbf16>, vector<32x512xf32> -> vector<32x512xf32>
      %convert_element_type3A_28 = arith.truncf %get3A_20 : vector<1024x512xf32> to vector<1024x512xbf16>
      %dot_general3A_29 = arith.constant dense<0.000000e+00> : vector<32x512xf32>
      %dot_general3A_30 = tpu.matmul %convert_element_type3A, %convert_element_type3A_28, %dot_general3A_29 {dimension_numbers = #tpu.dot_dimension_numbers<[1], [0], [0], [1], [0, 0, 1, 1], [], []>, transpose_lhs_hint = false} : vector<32x1024xbf16>, vector<1024x512xbf16>, vector<32x512xf32> -> vector<32x512xf32>
      %logistic3A = arith.negf %dot_general3A_27 : vector<32x512xf32>
      %logistic3A_31 = math.exp %logistic3A : vector<32x512xf32>
      %logistic3A_32 = arith.constant 1.000000e+00 : f32
      %logistic3A_33 = vector.broadcast %logistic3A_32 : f32 to vector<32x512xf32>
      %logistic3A_34 = arith.addf %logistic3A_33, %logistic3A_31 : vector<32x512xf32>
      %logistic3A_35 = arith.divf %logistic3A_33, %logistic3A_34 : vector<32x512xf32>
      %mul3A = arith.mulf %dot_general3A_27, %logistic3A_35 : vector<32x512xf32>
      %mul3A_36 = arith.mulf %mul3A, %dot_general3A_30 : vector<32x512xf32>
      %convert_element_type3A_37 = arith.truncf %mul3A_36 : vector<32x512xf32> to vector<32x512xbf16>
      %convert_element_type3A_38 = arith.truncf %get3A_25 : vector<512x1024xf32> to vector<512x1024xbf16>
      %dot_general3A_39 = arith.constant dense<0.000000e+00> : vector<32x1024xf32>
      %dot_general3A_40 = tpu.matmul %convert_element_type3A_37, %convert_element_type3A_38, %dot_general3A_39 {dimension_numbers = #tpu.dot_dimension_numbers<[1], [0], [0], [1], [0, 0, 1, 1], [], []>, transpose_lhs_hint = false} : vector<32x512xbf16>, vector<512x1024xbf16>, vector<32x1024xf32> -> vector<32x1024xf32>
      %add3A = arith.addf %broadcast_in_dim3A_10, %dot_general3A_40 : vector<32x1024xf32>
      %get3A_41 = arith.constant 1 : index
      %get3A_42 = arith.constant 0 : index
      %get3A_43 = arith.constant 0 : index
      %get3A_44 = vector.load %arg5[%get3A_41, %get3A_42, %get3A_43] : memref<2x1024x512xf32, #tpu.memory_space<vmem>>, vector<1x1024x512xf32>
      %get3A_45 = vector.shape_cast %get3A_44 : vector<1x1024x512xf32> to vector<1024x512xf32>
      %get3A_46 = arith.constant 1 : index
      %get3A_47 = arith.constant 0 : index
      %get3A_48 = arith.constant 0 : index
      %get3A_49 = vector.load %arg6[%get3A_46, %get3A_47, %get3A_48] : memref<2x1024x512xf32, #tpu.memory_space<vmem>>, vector<1x1024x512xf32>
      %get3A_50 = vector.shape_cast %get3A_49 : vector<1x1024x512xf32> to vector<1024x512xf32>
      %get3A_51 = arith.constant 1 : index
      %get3A_52 = arith.constant 0 : index
      %get3A_53 = arith.constant 0 : index
      %get3A_54 = vector.load %arg7[%get3A_51, %get3A_52, %get3A_53] : memref<2x512x1024xf32, #tpu.memory_space<vmem>>, vector<1x512x1024xf32>
      %get3A_55 = vector.shape_cast %get3A_54 : vector<1x512x1024xf32> to vector<512x1024xf32>
      %convert_element_type3A_56 = arith.truncf %get3A_45 : vector<1024x512xf32> to vector<1024x512xbf16>
      %dot_general3A_57 = arith.constant dense<0.000000e+00> : vector<32x512xf32>
      %dot_general3A_58 = tpu.matmul %convert_element_type3A, %convert_element_type3A_56, %dot_general3A_57 {dimension_numbers = #tpu.dot_dimension_numbers<[1], [0], [0], [1], [0, 0, 1, 1], [], []>, transpose_lhs_hint = false} : vector<32x1024xbf16>, vector<1024x512xbf16>, vector<32x512xf32> -> vector<32x512xf32>
      %convert_element_type3A_59 = arith.truncf %get3A_50 : vector<1024x512xf32> to vector<1024x512xbf16>
      %dot_general3A_60 = arith.constant dense<0.000000e+00> : vector<32x512xf32>
      %dot_general3A_61 = tpu.matmul %convert_element_type3A, %convert_element_type3A_59, %dot_general3A_60 {dimension_numbers = #tpu.dot_dimension_numbers<[1], [0], [0], [1], [0, 0, 1, 1], [], []>, transpose_lhs_hint = false} : vector<32x1024xbf16>, vector<1024x512xbf16>, vector<32x512xf32> -> vector<32x512xf32>
      %logistic3A_62 = arith.negf %dot_general3A_58 : vector<32x512xf32>
      %logistic3A_63 = math.exp %logistic3A_62 : vector<32x512xf32>
      %logistic3A_64 = arith.constant 1.000000e+00 : f32
      %logistic3A_65 = vector.broadcast %logistic3A_64 : f32 to vector<32x512xf32>
      %logistic3A_66 = arith.addf %logistic3A_65, %logistic3A_63 : vector<32x512xf32>
      %logistic3A_67 = arith.divf %logistic3A_65, %logistic3A_66 : vector<32x512xf32>
      %mul3A_68 = arith.mulf %dot_general3A_58, %logistic3A_67 : vector<32x512xf32>
      %mul3A_69 = arith.mulf %mul3A_68, %dot_general3A_61 : vector<32x512xf32>
      %convert_element_type3A_70 = arith.truncf %mul3A_69 : vector<32x512xf32> to vector<32x512xbf16>
      %convert_element_type3A_71 = arith.truncf %get3A_55 : vector<512x1024xf32> to vector<512x1024xbf16>
      %dot_general3A_72 = arith.constant dense<0.000000e+00> : vector<32x1024xf32>
      %dot_general3A_73 = tpu.matmul %convert_element_type3A_70, %convert_element_type3A_71, %dot_general3A_72 {dimension_numbers = #tpu.dot_dimension_numbers<[1], [0], [0], [1], [0, 0, 1, 1], [], []>, transpose_lhs_hint = false} : vector<32x512xbf16>, vector<512x1024xbf16>, vector<32x1024xf32> -> vector<32x1024xf32>
      %add3A_74 = arith.addf %add3A, %dot_general3A_73 : vector<32x1024xf32>
      %div3A = arith.constant 2.000000e+00 : f32
      %div3A_75 = vector.broadcast %div3A : f32 to vector<32x1024xf32>
      %div3A_76 = arith.divf %add3A_74, %div3A_75 : vector<32x1024xf32>
      %swap3A = arith.constant 0 : index
      %swap3A_77 = arith.constant 0 : index
      %swap3A_78 = vector.load %arg11[%swap3A, %swap3A_77] : memref<32x1024xf32, #tpu.memory_space<vmem>>, vector<32x1024xf32>
      tpu.vector_store %arg11[%swap3A, %swap3A_77], %div3A_76 {strides = array<i32>} : memref<32x1024xf32, #tpu.memory_space<vmem>>, vector<32x1024xf32>,
    } else {
    }
    %get3A_5 = arith.constant 0 : index
    %get3A_6 = memref.load %arg2[%get3A_5] : memref<1xi32, #tpu.memory_space<smem>>
    %lt3A = arith.cmpi slt, %arg0, %get3A_6 : i32
    %convert_element_type3A_7 = arith.extui %lt3A : i1 to i32
    %cond3A_8 = arith.constant 0 : i32
    %cond3A_9 = arith.cmpi ne, %convert_element_type3A_7, %cond3A_8 : i32
    scf.if %cond3A_9 {
      %get3A_10 = arith.index_cast %arg0 : i32 to index
      %get3A_11 = memref.load %arg1[%get3A_10] : memref<64xi32, #tpu.memory_space<smem>>
      %get3A_12 = arith.constant 0 : index
      %get3A_13 = arith.constant 0 : index
      %get3A_14 = arith.constant 0 : index
      %get3A_15 = vector.load %arg8[%get3A_12, %get3A_13, %get3A_14] : memref<1x1024x512xf32, #tpu.memory_space<vmem>>, vector<1x1024x512xf32>
      %get3A_16 = vector.shape_cast %get3A_15 : vector<1x1024x512xf32> to vector<1024x512xf32>
      %get3A_17 = arith.constant 0 : index
      %get3A_18 = arith.constant 0 : index
      %get3A_19 = arith.constant 0 : index
      %get3A_20 = vector.load %arg9[%get3A_17, %get3A_18, %get3A_19] : memref<1x1024x512xf32, #tpu.memory_space<vmem>>, vector<1x1024x512xf32>
      %get3A_21 = vector.shape_cast %get3A_20 : vector<1x1024x512xf32> to vector<1024x512xf32>
      %get3A_22 = arith.constant 0 : index
      %get3A_23 = arith.constant 0 : index
      %get3A_24 = arith.constant 0 : index
      %get3A_25 = vector.load %arg10[%get3A_22, %get3A_23, %get3A_24] : memref<1x512x1024xf32, #tpu.memory_space<vmem>>, vector<1x512x1024xf32>
      %get3A_26 = vector.shape_cast %get3A_25 : vector<1x512x1024xf32> to vector<512x1024xf32>
      %convert_element_type3A_27 = arith.truncf %get3A_16 : vector<1024x512xf32> to vector<1024x512xbf16>
      %dot_general3A = arith.constant dense<0.000000e+00> : vector<32x512xf32>
      %dot_general3A_28 = tpu.matmul %convert_element_type3A, %convert_element_type3A_27, %dot_general3A {dimension_numbers = #tpu.dot_dimension_numbers<[1], [0], [0], [1], [0, 0, 1, 1], [], []>, transpose_lhs_hint = false} : vector<32x1024xbf16>, vector<1024x512xbf16>, vector<32x512xf32> -> vector<32x512xf32>
      %convert_element_type3A_29 = arith.truncf %get3A_21 : vector<1024x512xf32> to vector<1024x512xbf16>
      %dot_general3A_30 = arith.constant dense<0.000000e+00> : vector<32x512xf32>
      %dot_general3A_31 = tpu.matmul %convert_element_type3A, %convert_element_type3A_29, %dot_general3A_30 {dimension_numbers = #tpu.dot_dimension_numbers<[1], [0], [0], [1], [0, 0, 1, 1], [], []>, transpose_lhs_hint = false} : vector<32x1024xbf16>, vector<1024x512xbf16>, vector<32x512xf32> -> vector<32x512xf32>
      %logistic3A = arith.negf %dot_general3A_28 : vector<32x512xf32>
      %logistic3A_32 = math.exp %logistic3A : vector<32x512xf32>
      %logistic3A_33 = arith.constant 1.000000e+00 : f32
      %logistic3A_34 = vector.broadcast %logistic3A_33 : f32 to vector<32x512xf32>
      %logistic3A_35 = arith.addf %logistic3A_34, %logistic3A_32 : vector<32x512xf32>
      %logistic3A_36 = arith.divf %logistic3A_34, %logistic3A_35 : vector<32x512xf32>
      %mul3A = arith.mulf %dot_general3A_28, %logistic3A_36 : vector<32x512xf32>
      %mul3A_37 = arith.mulf %mul3A, %dot_general3A_31 : vector<32x512xf32>
      %convert_element_type3A_38 = arith.truncf %mul3A_37 : vector<32x512xf32> to vector<32x512xbf16>
      %convert_element_type3A_39 = arith.truncf %get3A_26 : vector<512x1024xf32> to vector<512x1024xbf16>
      %dot_general3A_40 = arith.constant dense<0.000000e+00> : vector<32x1024xf32>
      %dot_general3A_41 = tpu.matmul %convert_element_type3A_38, %convert_element_type3A_39, %dot_general3A_40 {dimension_numbers = #tpu.dot_dimension_numbers<[1], [0], [0], [1], [0, 0, 1, 1], [], []>, transpose_lhs_hint = false} : vector<32x512xbf16>, vector<512x1024xbf16>, vector<32x1024xf32> -> vector<32x1024xf32>
      %iota3A = tpu.iota {dimensions = array<i32: 1>} : vector<32x64xi32>
      %eq3A_42 = vector.broadcast %get3A_11 : i32 to vector<32x64xi32>
      %eq3A_43 = arith.cmpi eq, %iota3A, %eq3A_42 : vector<32x64xi32>
      %get3A_44 = arith.constant 0 : index
      %get3A_45 = arith.constant 0 : index
      %get3A_46 = vector.load %arg4[%get3A_44, %get3A_45] : memref<32x64xf32, #tpu.memory_space<vmem>>, vector<32x64xf32>
      %jit3A = arith.constant 0.000000e+00 : f32
      %broadcast_in_dim3A = vector.broadcast %jit3A : f32 to vector<32x64xf32>
      %select_n3A = arith.select %eq3A_43, %get3A_46, %broadcast_in_dim3A : vector<32x64xi1>, vector<32x64xf32>
      %reduce_sum3A = arith.constant dense<0.000000e+00> : vector<32xf32>
      %reduce_sum3A_47 = vector.multi_reduction <add>, %select_n3A, %reduce_sum3A [1] : vector<32x64xf32> to vector<32xf32>
      %broadcast_in_dim3A_48 = vector.shape_cast %reduce_sum3A_47 : vector<32xf32> to vector<32x1xf32>
      %get3A_49 = arith.constant 0 : index
      %get3A_50 = arith.constant 0 : index
      %get3A_51 = vector.load %arg11[%get3A_49, %get3A_50] : memref<32x1024xf32, #tpu.memory_space<vmem>>, vector<32x1024xf32>
      %mul3A_52 = vector.broadcast %broadcast_in_dim3A_48 : vector<32x1xf32> to vector<32x1024xf32>
      %mul3A_53 = arith.mulf %dot_general3A_41, %mul3A_52 : vector<32x1024xf32>
      %add3A = arith.addf %get3A_51, %mul3A_53 : vector<32x1024xf32>
      %swap3A = arith.constant 0 : index
      %swap3A_54 = arith.constant 0 : index
      %swap3A_55 = vector.load %arg11[%swap3A, %swap3A_54] : memref<32x1024xf32, #tpu.memory_space<vmem>>, vector<32x1024xf32>
      tpu.vector_store %arg11[%swap3A, %swap3A_54], %add3A {strides = array<i32>} : memref<32x1024xf32, #tpu.memory_space<vmem>>, vector<32x1024xf32>,
    } else {
    }
    return
  }
  func.func @transform_0(%arg0: i32, %arg1: memref<64xi32, #tpu.memory_space<smem>>, %arg2: memref<1xi32, #tpu.memory_space<smem>>) -> (i32, i32) {
    %c0_i32 = arith.constant 0 : i32
    %c0_i32_0 = arith.constant 0 : i32
    %c0_i32_1 = arith.constant 0 : i32
    return %c0_i32, %c0_i32_0 : i32, i32
  }
  func.func @transform_1(%arg0: i32, %arg1: memref<64xi32, #tpu.memory_space<smem>>, %arg2: memref<1xi32, #tpu.memory_space<smem>>) -> (i32, i32) {
    %c0_i32 = arith.constant 0 : i32
    %c0_i32_0 = arith.constant 0 : i32
    %c0_i32_1 = arith.constant 0 : i32
    return %c0_i32, %c0_i32_0 : i32, i32
  }
  func.func @transform_2(%arg0: i32, %arg1: memref<64xi32, #tpu.memory_space<smem>>, %arg2: memref<1xi32, #tpu.memory_space<smem>>) -> (i32, i32, i32) {
    %c0_i32 = arith.constant 0 : i32
    %c0_i32_0 = arith.constant 0 : i32
    %c0_i32_1 = arith.constant 0 : i32
    %c0_i32_2 = arith.constant 0 : i32
    return %c0_i32, %c0_i32_0, %c0_i32_1 : i32, i32, i32
  }
  func.func @transform_3(%arg0: i32, %arg1: memref<64xi32, #tpu.memory_space<smem>>, %arg2: memref<1xi32, #tpu.memory_space<smem>>) -> (i32, i32, i32) {
    %c0_i32 = arith.constant 0 : i32
    %c0_i32_0 = arith.constant 0 : i32
    %c0_i32_1 = arith.constant 0 : i32
    %c0_i32_2 = arith.constant 0 : i32
    return %c0_i32, %c0_i32_0, %c0_i32_1 : i32, i32, i32
  }
  func.func @transform_4(%arg0: i32, %arg1: memref<64xi32, #tpu.memory_space<smem>>, %arg2: memref<1xi32, #tpu.memory_space<smem>>) -> (i32, i32, i32) {
    %c0_i32 = arith.constant 0 : i32
    %c0_i32_0 = arith.constant 0 : i32
    %c0_i32_1 = arith.constant 0 : i32
    %c0_i32_2 = arith.constant 0 : i32
    return %c0_i32, %c0_i32_0, %c0_i32_1 : i32, i32, i32
  }
  func.func @transform_5(%arg0: i32, %arg1: memref<64xi32, #tpu.memory_space<smem>>, %arg2: memref<1xi32, #tpu.memory_space<smem>>) -> (i32, i32, i32) {
    %get3A = arith.index_cast %arg0 : i32 to index
    %get3A_0 = memref.load %arg1[%get3A] : memref<64xi32, #tpu.memory_space<smem>>
    %c0_i32 = arith.constant 0 : i32
    %c0_i32_1 = arith.constant 0 : i32
    %c0_i32_2 = arith.constant 0 : i32
    return %get3A_0, %c0_i32, %c0_i32_1 : i32, i32, i32
  }
  func.func @transform_6(%arg0: i32, %arg1: memref<64xi32, #tpu.memory_space<smem>>, %arg2: memref<1xi32, #tpu.memory_space<smem>>) -> (i32, i32, i32) {
    %get3A = arith.index_cast %arg0 : i32 to index
    %get3A_0 = memref.load %arg1[%get3A] : memref<64xi32, #tpu.memory_space<smem>>
    %c0_i32 = arith.constant 0 : i32
    %c0_i32_1 = arith.constant 0 : i32
    %c0_i32_2 = arith.constant 0 : i32
    return %get3A_0, %c0_i32, %c0_i32_1 : i32, i32, i32
  }
  func.func @transform_7(%arg0: i32, %arg1: memref<64xi32, #tpu.memory_space<smem>>, %arg2: memref<1xi32, #tpu.memory_space<smem>>) -> (i32, i32, i32) {
    %get3A = arith.index_cast %arg0 : i32 to index
    %get3A_0 = memref.load %arg1[%get3A] : memref<64xi32, #tpu.memory_space<smem>>
    %c0_i32 = arith.constant 0 : i32
    %c0_i32_1 = arith.constant 0 : i32
    %c0_i32_2 = arith.constant 0 : i32
    return %get3A_0, %c0_i32, %c0_i32_1 : i32, i32, i32
  }
  func.func @transform_8(%arg0: i32, %arg1: memref<64xi32, #tpu.memory_space<smem>>, %arg2: memref<1xi32, #tpu.memory_space<smem>>) -> (i32, i32) {
    %c0_i32 = arith.constant 0 : i32
    %c0_i32_0 = arith.constant 0 : i32
    %c0_i32_1 = arith.constant 0 : i32
    return %c0_i32, %c0_i32_0 : i32, i32
  }
}

</mosaic_0001>

<sc_bundles>
// kernel: kernel.5.cloned.1.call-start
scs
__scs_entry_jumppad:
0x0: {  	(pc) =	sbr.rel $0x88, $3  }
0x1: {  	(tag) =	ssettag $0x0;
	lr =	simm.s32 $0x1  }
0x2: {  	[smem:$0x3F99] =	sst lr;
	_ =	strace $0xD0000000  }
0x3: {  	_ = 	snop  }
0x4: {  	_ = 	snop  }
0x5: {  	_ = 	snop  }
0x6: {  	_ = 	snop  }
0x7: {  	_ = 	snop  }
__scs_overlays_trampoline_lowered:
0x8: {  	[smem:$0x3FA8] =	sst s0  }
0x9: {  	[smem:$0x3FA9] =	sst s1  }
0xa: {  	[smem:$0x3FAA] =	sst s2  }
0xb: {  	[smem:$0x3FAB] =	sst s3  }
0xc: {  	[smem:$0x3FAC] =	sst s4  }
0xd: {  	[smem:$0x3FAD] =	sst s5  }
0xe: {  	[smem:$0x3FAE] =	sst s6  }
0xf: {  	[smem:$0x3FAF] =	sst s7  }
0x10: {  	[smem:$0x3FB0] =	sst s8  }
0x11: {  	[smem:$0x3FB1] =	sst s9;
	s0 =	simm.s32 @!p0 $0x0  }
0x12: {  	s1 =	sld [smem:$0x3F97];
	s0 =	simm.s32 @p0 $0x1  }
0x13: {  	[smem:$0x3FB2] =	sst s0;
	s0 =	simm.s32 @!p1 $0x0  }
0x14: {  	s2 =	sld [smem:$0x3F96];
	s0 =	simm.s32 @p1 $0x1  }
0x15: {  	[smem:$0x3FB3] =	sst s0;
	s0 =	simm.s32 @!p2 $0x0  }
0x16: {  	s3 =	sld [smem:$0x3FDB];
	s0 =	simm.s32 @p2 $0x1  }
0x17: {  	s4 =	simm.s32 $0x1BF5;
	[smem:$0x3FB5] =	sst s0  }
0x18: {  	s0 =	sld [smem:$0x3F98];
	_ =	swait.ge [sflag:s4], $0x0  }
0x19: {  	s7 =	sld [smem:$0x3F99]  }
0x1a: {  	s8 =	sadd.s32 $0xFFFFE003, lr  }
0x1b: {  	s9 =	sadd.s32 $0xFFFFFEF7, lr;
	s5 =	simm.s32 $0xFFFFFFFF;
	p2 =	slt.u32 s8, $0xFFFFF086  }
0x1c: {  	p1 =	slt.u32 s9, $0xF7A;
	s5 =	simm.s32 @!p2 $0x0  }
0x1d: {  	s5 =	simm.s32 @p1 $0x1;
	p0 =	seq.s32 s7, s2  }
0x1e: {  	s7 =	smul.u32 @!p0 $0xF7A, s2;
	p2 =	seq.s32 @!p0 s5, $0x0  }
0x1f: {  	s9 =	smul.u32 $0xF7A, s1;
	s8 =	simm.s32 @!p0 $0x1BF5;
	p2 =	por !p2, p0  }
0x20: {  	[sflag:s8] =	ssyncset.s32 @!p0 $0xFFFFF086;
	s6 =	sadd.s32 @!p0 s3, s7;
	s7 =	simm.s32 @!p0 $0x108  }
0x21: {  	s3 =	sadd.s32 s3, s9;
	s6 =	sadd.s32 @!p0 $0x88, s6;
	s7 =	simm.s32 @p2 $0x1082  }
0x22: {  	[simem:s7], [sflag:s8] =	dma.local @!p0 [hbm:s6], $0xF7A  }
0x23: {  	s9 =	sor.u32 $0xD0000000, s2;
	s6 =	simm.s32 $0x108;
	_ =	swait.ge @!p0 [sflag:s8], $0x0  }
0x24: {  	s3 =	sadd.s32 $0x88, s3;
	s6 =	simm.s32 @!p1 $0x1082;
	[sflag:s4] =	ssyncset.s32 $0xFFFFF086  }
0x25: {  	[simem:s6], [sflag:s4] =	dma.local [hbm:s3], $0xF7A  }
0x26: {  	[smem:$0x3F99] =	sst s1;
	(tag) =	ssettag s2;
	_ =	strace s9  }
0x27: {  	s1 =	sld [smem:$0x3FA9]  }
0x28: {  	s2 =	sld [smem:$0x3FAA]  }
0x29: {  	s4 =	sld [smem:$0x3FAC]  }
0x2a: {  	p0 =	seq.s32 s5, $0x0;
	s5 =	sld [smem:$0x3FAD]  }
0x2b: {  	s6 =	sld [smem:$0x3FAE]  }
0x2c: {  	s7 =	sld [smem:$0x3FAF]  }
0x2d: {  	s3 =	simm.s32 $0x108;
	s8 =	sld [smem:$0x3FB0]  }
0x2e: {  	s3 =	simm.s32 @!p0 $0x1082;
	s9 =	sld [smem:$0x3FB1]  }
0x2f: {  	lr =	sadd.s32 s0, s3;
	s0 =	sld [smem:$0x3FA8]  }
0x30: {  	s3 =	sld [smem:$0x3FAB]  }
0x31: {  	[smem:$0x3FB4] =	sst s10  }
0x32: {  	s10 =	sld [smem:$0x3FB2];
	_ =	sdelay $0x3  }
0x33: {  	p0 =	seq.s32 s10, $0x1;
	s10 =	sld [smem:$0x3FB4];
	_ =	sdelay $0x3  }
0x34: {  	[smem:$0x3FB4] =	sst s10  }
0x35: {  	s10 =	sld [smem:$0x3FB3];
	_ =	sdelay $0x3  }
0x36: {  	p1 =	seq.s32 s10, $0x1;
	s10 =	sld [smem:$0x3FB4];
	_ =	sdelay $0x3  }
0x37: {  	[smem:$0x3FB4] =	sst s10  }
0x38: {  	s10 =	sld [smem:$0x3FB5]  }
0x39: {  	_ = 	snop;
	(pc) =	sbr.ind lr, $3  }
0x3a: {  	_ = 	snop  }
0x3b: {  	_ = 	snop  }
0x3c: {  	p2 =	seq.s32 s10, $0x1;
	s10 =	sld [smem:$0x3FB4]  }
0x3d: {  	_ =	shalt  }
0x3e: {  	_ =	shalt  }
0x3f: {  	_ =	shalt  }
0x40: {  	_ =	shalt  }
0x41: {  	_ =	shalt  }
0x42: {  	_ =	shalt  }
0x43: {  	_ =	shalt  }
0x44: {  	_ =	shalt  }
0x45: {  	_ =	shalt  }
0x46: {  	_ =	shalt  }
0x47: {  	_ =	shalt  }
0x48: {  	_ =	shalt  }
0x49: {  	_ =	shalt  }
0x4a: {  	_ =	shalt  }
0x4b: {  	_ =	shalt  }
0x4c: {  	_ =	shalt  }
0x4d: {  	_ =	shalt  }
0x4e: {  	_ =	shalt  }
0x4f: {  	_ =	shalt  }
0x50: {  	_ =	shalt  }
0x51: {  	_ =	shalt  }
0x52: {  	_ =	shalt  }
0x53: {  	_ =	shalt  }
0x54: {  	_ =	shalt  }
0x55: {  	_ =	shalt  }
0x56: {  	_ =	shalt  }
0x57: {  	_ =	shalt  }
0x58: {  	_ =	shalt  }
0x59: {  	_ =	shalt  }
0x5a: {  	_ =	shalt  }
0x5b: {  	_ =	shalt  }
0x5c: {  	_ =	shalt  }
0x5d: {  	_ =	shalt  }
0x5e: {  	_ =	shalt  }
0x5f: {  	_ =	shalt  }
0x60: {  	_ =	shalt  }
0x61: {  	_ =	shalt  }
0x62: {  	_ =	shalt  }
0x63: {  	_ =	shalt  }
0x64: {  	_ =	shalt  }
0x65: {  	_ =	shalt  }
0x66: {  	_ =	shalt  }
0x67: {  	_ =	shalt  }
0x68: {  	_ =	shalt  }
0x69: {  	_ =	shalt  }
0x6a: {  	_ =	shalt  }
0x6b: {  	_ =	shalt  }
0x6c: {  	_ =	shalt  }
0x6d: {  	_ =	shalt  }
0x6e: {  	_ =	shalt  }
0x6f: {  	_ =	shalt  }
0x70: {  	_ =	shalt  }
0x71: {  	_ =	shalt  }
0x72: {  	_ =	shalt  }
0x73: {  	_ =	shalt  }
0x74: {  	_ =	shalt  }
0x75: {  	_ =	shalt  }
0x76: {  	_ =	shalt  }
0x77: {  	_ =	shalt  }
0x78: {  	_ =	shalt  }
0x79: {  	_ =	shalt  }
0x7a: {  	_ =	shalt  }
0x7b: {  	_ =	shalt  }
0x7c: {  	_ =	shalt  }
0x7d: {  	_ =	shalt  }
0x7e: {  	_ =	shalt  }
0x7f: {  	_ =	shalt  }
0x80: {  	_ =	shalt  }
0x81: {  	_ =	shalt  }
0x82: {  	_ =	shalt  }
0x83: {  	_ =	shalt  }
0x84: {  	_ =	shalt  }
0x85: {  	_ =	shalt  }
0x86: {  	_ =	shalt  }
0x87: {  	_ =	shalt  }
.Lfunc_end0:
.L_simem_size_0:
called_computation_lowered:
.L_overlay_start_0:
0x88: {  	s2 =	sld [smem:$0x3FD9]  }
0x89: {  	s3 =	sld [smem:$0x3FFE];
	_ =	sdelay $0x1  }
0x8a: {  	s1 =	srdreg.scid  }
0x8b: {  	s0 =	sand.u32 $0x1, s1  }
0x8c: {  	s15 =	sshll.u32 s0, $0xA;
	s2 =	sadd.s32 s3, s2  }
0x8d: {  	s2 =	sadd.s32 s2, s15  }
0x8e: {  	[smem:$0x3FC0] =	sst s2  }
0x8f: {  	_ = 	snop  }
0x90: {  	s2 =	sld [smem:$0x3FD0];
	_ =	sdelay $0x2  }
0x91: {  	s16 =	simm.s32 $0xA;
	s4 =	simm.s32 $0x10  }
0x92: {  	[smem:s4], [sflag:s16] =	dma.local [hbm:s2], $0x1  }
0x93: {  	_ =	swait.eq [sflag:s16], $0x1  }
0x94: {  	s17 =	sld [smem:$0x10];
	[sflag:s16] =	ssyncset.done $0x0  }
0x95: {  	s18 =	sld [smem:$0x12];
	[sflag:s16] =	ssyncadd.s32 $0xFFFFFFFF  }
0x96: {  	s19 =	sld [smem:$0x13];
	(tm) =	ssettm $0x1  }
0x97: {  	s5 =	sld [smem:$0x3FFB];
	_ =	sdelay $0x3  }
0x98: {  	_ =	strace s5  }
0x99: {  	s5 =	sld [smem:$0x3FFC];
	_ =	sdelay $0x3  }
0x9a: {  	_ =	strace s5  }
0x9b: {  	s5 =	sld [smem:$0x3FFD];
	_ =	sdelay $0x3  }
0x9c: {  	_ =	strace s5  }
0x9d: {  	_ =	strace $0x8FFFFFFF  }
0x9e: {  	s20 =	sld [smem:$0x3FDB];
	_ =	sdelay $0x1  }
0x9f: {  	s6 =	simm.s32 $_scs_section_size  }
0xa0: {  	s7 =	simm.s32 $_size__tile_overlayer_lowered;
	s8 =	simm.s32 $_tile_overlayer_lowered  }
0xa1: {  	s23 =	simm.s32 $0x1BFF;
	s22 =	sshll.u32 s8, $0x1;
	s5 =	sadd.s32 s6, s20  }
0xa2: {  	s9 =	simm.s32 $0x0;
	s21 =	sshll.u32 s7, $0x1;
	s7 =	sadd.s32 s22, s5  }
0xa3: {  	[timem:s9], [sflag:s23] =	dma.local [hbm:s7], s21  }
0xa4: {  	_ =	swait.ge [sflag:s23], s21  }
0xa5: {  	s6 =	ssub.s32 $0x0, s21;
	[sflag:s23] =	ssyncset.done $0x0  }
0xa6: {  	[sflag:s23] =	ssyncadd.s32 s6;
	_ =	sdelay $0x1  }
0xa7: {  	s24 =	simm.s32 $0x1B8B  }
0xa8: {  	_ =	swait.ge [sflag:s24], $0x1  }
0xa9: {  	[sflag:s24] =	ssyncset.done $0x0  }
0xaa: {  	s25 =	simm.s32 $0x1B8E;
	[sflag:s24] =	ssyncadd.s32 $0xFFFFFFFF  }
0xab: {  	s26 =	simm.s32 $execute0_lowered;
	[smem:$0x3FD2] =	sst s25  }
0xac: {  	s6 =	sshll.u32 s26, $0x1;
	_ =	strace $0x80000046;
	[dreg:$0x1] =	wrdreg $0xFFFFFFFF  }
0xad: {  	s28 =	simm.s32 $_size_execute0_lowered;
	s5 =	sadd.s32 s5, s6;
	[dreg:$0x0] =	wrdreg $0x0  }
0xae: {  	s6 =	sshll.u32 s28, $0x1;
	[dreg:$0x2] =	wrdreg s5  }
0xaf: {  	[dreg:$0x3] =	wrdreg s6  }
0xb0: {  	[dreg:$0x4] =	wrdreg $0xC0  }
0xb1: {  	_ =	task [dreg:s9], $0x5FFFF  }
0xb2: {  	[dreg:$0x1] =	wrdreg $0xFFFFFFFF  }
0xb3: {  	[dreg:$0x0] =	wrdreg $0x60  }
0xb4: {  	[dreg:$0x2] =	wrdreg s17  }
0xb5: {  	[dreg:$0x3] =	wrdreg s18  }
0xb6: {  	[dreg:$0x4] =	wrdreg s19  }
0xb7: {  	[dreg:$0x5] =	wrdreg $0x9  }
0xb8: {  	_ =	task.clear_ibuf [dreg:s9], $0x6FFFF;
	_ =	strace $0x90000046  }
0xb9: {  	s29 =	simm.s32 $0x9;
	_ =	strace $0x80000048  }
0xba: {  	_ =	swait.ge [sflag:s29], $0x1  }
0xbb: {  	[sflag:s29] =	ssyncadd.s32 $0xFFFFFFFF  }
0xbc: {  	_ =	strace $0x90000048  }
0xbd: {  	_ =	sfence  }
0xbe: {  	s30 =	sld [smem:$0x0];
	_ =	sdelay $0x2  }
0xbf: {  	s31 =	sshll.u32 s1, $0xD;
	s1 =	sshrl.u32 s1, $0x2  }
0xc0: {  	s3 =	sand.u32 $0x4000, s31;
	s1 =	sadd.s32 s1, s30  }
0xc1: {  	s0 =	sor.u32 s3, s0;
	s1 =	sshll.u32 s1, $0x11  }
0xc2: {  	s0 =	sor.u32 s1, s0  }
0xc3: {  	s0 =	sadd.s32 $0x8F2B, s0  }
0xc4: {  	[sflag:s0] =	ssyncadd.remote.s32 $0x1  }
0xc5: {  	_ =	sfence.sel $0xFFFF  }
0xc6: {  	[dreg:$0x0] =	wrdreg $0xFFFFFFFF;
	(pc) =	sbr.abs _section_cstart, $3  }
0xc7: {  	[dreg:$0x1] =	wrdreg $0xFFFFFFFF  }
0xc8: {  	_ =	task.clear_ibuf [dreg:s9], $0x2FFFF;
	_ =	strace $0x9FFFFFFF  }
0xc9: {  	(tm) =	ssettm $0x7FFFFFFF  }
tec
execute0_lowered:
.L_overlay_start_1:
0x0: {  	(tag) =	ssettag $0x1  }
0x1: {  	s0 =	srdreg.scid  }
0x2: {  	s5 =	sand.u32 $0x1, s0;
	s0 =	stileid.u32  }
0x3: {  	s6 =	sshll.u32 s0, $0x1;
	s7 =	ssub.s32 $0x0, s5  }
0x4: {  	p0 =	sne.s32 s6, s7  }
.Ltmp0:
0x5: {  	_ = 	snop;
	(pc) =	sbr.rel @p0 .LBB2_5-.Ltmp0, $4  }
0x6: {  	s1 =	rddreg [dreg:$0x0]  }
0x7: {  	s3 =	rddreg [dreg:$0x1]  }
0x8: {  	s4 =	rddreg [dreg:$0x2]  }
0x9: {  	s2 =	rddreg [dreg:$0x3];
	_ =	strace $0x80000047  }
0xa: {  	s5 =	ssub.s32 $0x2, s5  }
0xb: {  	s7 =	simm.s32 $0x2;
	s8 =	simm.s32 $0x2000;
	s6 =	sshrl.u32 s5, $0x1  }
0xc: {  	s9 =	simm.s32 $0x2100;
	s10 =	simm.s32 $0x1;
	s5 =	ssub.s32 s5, s6  }
0xd: {  	s11 =	simm.s32 $0x0;
	s6 =	simm.s32 $0x0;
	s5 =	smax.u32 s5, $0x1  }
.LBB2_2:
0xe: {  	[tilespmem:s6], [sflag:$0x2] =	stream.linear.gather [hbm4b:s1+s6], $0x2000, $0x38;
	v4 =	vimm.f32 $-3.000000010e+38;
	[tilespmem:$0x2200] =	vst v63  }
0xf: {  	v2 =	vimm.s32 $0x0;
	v6 =	vimm.f32 $0.0e+00;
	v3 =	vimm.s32 $0x0;
	_ =	swait.ge [sflag:s7], $0x2000  }
0x10: {  	v0 =	vimm.f32 $-3.000000010e+38;
	v9 =	vimm.f32 $0.0e+00;
	v7 =	vimm.s32 $0x0;
	[sflag:s7] =	ssyncset.done $0x0  }
0x11: {  	s12 =	simm.s32 $0x200;
	v8 =	vimm.f32 $-3.000000010e+38;
	v5 =	vimm.s32 $0x0;
	v1 =	vimm.f32 $-3.000000010e+38;
	s13 =	simm.s32 $0x0;
	[sflag:s7] =	ssyncadd.s32 $0xFFFFE000  }
.LBB2_3:
0x12: {  	v10 =	vld [tilespmem:s12+$0xFFFFFE00];
	_ =	sdelay $0x2  }
0x13: {  	v13 =	vld [tilespmem:s12+$0xFFFFFE10];
	_ =	sdelay $0x1  }
0x14: {  	vm4 =	vgt.f32 v10, v1  }
0x15: {  	v14 =	vld [tilespmem:s12+$0xFFFFFE80];
	v11 =	vsel vm4, v10, v1  }
0x16: {  	v12 =	vsub.f32 v1, v11  }
0x17: {  	vm5 =	vgt.f32 v13, v0  }
0x18: {  	v15 =	vsel vm5, v13, v0;
	v39 =	vsub.f32 v10, v11;
	v12 =	vmul.f32 $1.442695020e+00, v12  }
0x19: {  	v40 =	vsub.f32 v0, v15  }
0x1a: {  	v16 =	vld [tilespmem:s12+$0xFFFFFE90];
	vm2 =	vgt.f32 v14, v11;
	(erf) = vpow2.f32 v12;
	v12 =	vmul.f32 $1.442695020e+00, v39  }
0x1b: {  	v17 =	vsub.f32 v13, v15;
	v18 =	vsel vm2, v14, v11  }
0x1c: {  	v20 =	vsub.f32 v11, v18;
	(erf) = vpow2.f32 v12;
	v12 =	vmul.f32 $1.442695020e+00, v40  }
0x1d: {  	v19 =	vld [tilespmem:s12+$0xFFFFFF00];
	v41 =	vmul.f32 $1.442695020e+00, v17  }
0x1e: {  	v20 =	vmul.f32 $1.442695020e+00, v20;
	(erf) = vpow2.f32 v12  }
0x1f: {  	vm3 =	vgt.f32 v16, v15;
	(erf) = vpow2.f32 v41  }
0x20: {  	v22 =	vsel vm3, v16, v15;
	v21 =	vsub.f32 v14, v18;
	(erf) = vpow2.f32 v20  }
0x21: {  	vm1 =	vgt.f32 v10, v8;
	v43 =	vsub.f32 v15, v22  }
0x22: {  	v46 =	vld [tilespmem:s12+$0xFFFFFF10];
	vm6 =	vgt.f32 v13, v4;
	vm0 =	vgt.f32 v19, v18;
	v44 =	vmul.f32 $1.442695020e+00, v21  }
0x23: {  	v45 =	vsub.f32 v16, v22;
	v23 =	vsel vm0, v19, v18;
	v12 =	vmul.f32 $1.442695020e+00, v43  }
0x24: {  	v8 =	vsel vm1, v10, v8;
	v47 =	vsub.f32 v18, v23;
	(erf) = vpow2.f32 v44  }
0x25: {  	v7 =	vsel vm1, s13, v7;
	v48 =	vmul.f32 $1.442695020e+00, v45;
	(erf) = vpow2.f32 v12;
	v42 =	vpop (erf)  }
0x26: {  	v49 =	vsub.f32 v19, v23;
	v10 =	vmul.f32 $1.442695020e+00, v47;
	v9 =	vmul.f32 v42, v9;
	v24 =	vpop (erf)  }
0x27: {  	v1 =	vsel vm4, v1, v8;
	vm1 =	vgt.f32 v46, v22;
	(erf) = vpow2.f32 v48;
	v8 =	vpop (erf)  }
0x28: {  	v9 =	vadd.f32 v9, v24;
	(erf) = vpow2.f32 v10;
	v10 =	vmul.f32 $1.442695020e+00, v49;
	v50 =	vpop (erf)  }
0x29: {  	v4 =	vsel vm6, v13, v4;
	v6 =	vmul.f32 v8, v6;
	v8 =	vsel vm1, v46, v22;
	v51 =	vpop (erf)  }
0x2a: {  	(erf) = vpow2.f32 v10;
	v10 =	vsub.f32 v22, v8;
	v9 =	vmul.f32 v51, v9  }
0x2b: {  	v2 =	vsel vm6, s13, v2  }
0x2c: {  	v7 =	vsel vm4, v5, v7;
	v5 =	vsel vm4, s13, v5;
	v10 =	vmul.f32 $1.442695020e+00, v10  }
0x2d: {  	v0 =	vsel vm5, v0, v4;
	v2 =	vsel vm5, v3, v2;
	v6 =	vadd.f32 v6, v50;
	v4 =	vpop (erf)  }
0x2e: {  	v3 =	vsel vm5, s13, v3;
	vm9 =	vgt.f32 v14, v1;
	v4 =	vadd.f32 v9, v4;
	v9 =	vpop (erf)  }
0x2f: {  	s14 =	sadd.s32 $0x1, s13;
	vm10 =	vgt.f32 v16, v0;
	v1 =	vsel vm9, v14, v1;
	v6 =	vmul.f32 v9, v6;
	v9 =	vld [tilespmem:s12+$0xFFFFFF80]  }
0x30: {  	v7 =	vsel vm9, s14, v7;
	v2 =	vsel vm10, s14, v2;
	(erf) = vpow2.f32 v10;
	v10 =	vpop (erf)  }
0x31: {  	v0 =	vsel vm10, v16, v0;
	v1 =	vsel vm2, v11, v1;
	v6 =	vadd.f32 v6, v10;
	v10 =	vpop (erf)  }
0x32: {  	v7 =	vsel vm2, v5, v7;
	v5 =	vsel vm2, s14, v5;
	v4 =	vmul.f32 v10, v4  }
0x33: {  	v0 =	vsel vm3, v15, v0;
	v11 =	vld [tilespmem:s12+$0xFFFFFF90];
	vm11 =	vgt.f32 v19, v1;
	v10 =	vsel vm3, v3, v2;
	v2 =	vpop (erf)  }
0x34: {  	s25 =	sadd.s32 $0x2, s13;
	vm8 =	vgt.f32 v46, v0;
	v4 =	vadd.f32 v4, v2;
	vm12 =	vgt.f32 v9, v23  }
0x35: {  	v53 =	vld [tilespmem:s12+$0x0];
	v2 =	vsel vm11, s25, v7;
	v7 =	vsub.f32 v46, v8;
	v52 =	vsel vm12, v9, v23  }
0x36: {  	v1 =	vsel vm11, v19, v1;
	v54 =	vsel vm0, v5, v2;
	v2 =	vsub.f32 v23, v52  }
0x37: {  	v0 =	vsel vm8, v46, v0;
	v7 =	vmul.f32 $1.442695020e+00, v7;
	v56 =	vsub.f32 v9, v52  }
0x38: {  	v57 =	vld [tilespmem:s12+$0x10];
	v0 =	vsel vm1, v22, v0;
	vm13 =	vgt.f32 v11, v8;
	v2 =	vmul.f32 $1.442695020e+00, v2  }
0x39: {  	v58 =	vsel vm13, v11, v8;
	(erf) = vpow2.f32 v7;
	v7 =	vmul.f32 $1.442695020e+00, v56  }
0x3a: {  	v55 =	vpop (erf);
	vm14 =	vgt.f32 v53, v52;
	(erf) = vpow2.f32 v2;
	v2 =	vsub.f32 v8, v58  }
0x3b: {  	v59 =	vsel vm14, v53, v52;
	(erf) = vpow2.f32 v7;
	v7 =	vsub.f32 v11, v58  }
0x3c: {  	vm10 =	vgt.f32 v11, v0;
	v61 =	vsub.f32 v52, v59;
	v60 =	vmul.f32 $1.442695020e+00, v2  }
0x3d: {  	vm15 =	vgt.f32 v57, v58;
	v62 =	vsub.f32 v53, v59;
	v7 =	vmul.f32 $1.442695020e+00, v7  }
0x3e: {  	v63 =	vld [tilespmem:s12+$0x80];
	v26 =	vmul.f32 $1.442695020e+00, v61;
	v2 =	vsel vm15, v57, v58;
	(erf) = vpow2.f32 v60  }
0x3f: {  	v27 =	vsub.f32 v58, v2;
	(erf) = vpow2.f32 v7;
	v7 =	vmul.f32 $1.442695020e+00, v62  }
0x40: {  	v1 =	vsel vm0, v18, v1;
	v0 =	vsel vm10, v11, v0  }
0x41: {  	v29 =	vsub.f32 v57, v2;
	v28 =	vmul.f32 $1.442695020e+00, v27;
	(erf) = vpow2.f32 v26  }
0x42: {  	v5 =	vsel vm0, s25, v5;
	v6 =	vmul.f32 v55, v6;
	(erf) = vpow2.f32 v7  }
0x43: {  	vm0 =	vgt.f32 v63, v59;
	v30 =	vmul.f32 $1.442695020e+00, v29;
	(erf) = vpow2.f32 v28;
	v7 =	vpop (erf)  }
0x44: {  	v3 =	vsel vm3, s14, v3;
	v6 =	vadd.f32 v6, v7;
	v7 =	vsel vm0, v63, v59  }
0x45: {  	v10 =	vsel vm8, s25, v10;
	v31 =	vpop (erf);
	(erf) = vpow2.f32 v30;
	v32 =	vsub.f32 v59, v7  }
0x46: {  	v0 =	vsel vm13, v8, v0;
	v10 =	vsel vm1, v3, v10  }
0x47: {  	s26 =	sadd.s32 $0x3, s13;
	v3 =	vsel vm1, s25, v3;
	vm9 =	vgt.f32 v9, v1;
	v33 =	vpop (erf);
	v34 =	vmul.f32 $1.442695020e+00, v32  }
0x48: {  	v1 =	vsel vm9, v9, v1;
	v10 =	vsel vm10, s26, v10;
	v4 =	vmul.f32 v31, v4;
	v35 =	vpop (erf)  }
0x49: {  	v9 =	vsel vm9, s26, v54;
	v6 =	vmul.f32 v35, v6;
	v36 =	vpop (erf);
	(erf) = vpow2.f32 v34  }
0x4a: {  	v1 =	vsel vm12, v23, v1;
	v9 =	vsel vm12, v5, v9;
	v4 =	vadd.f32 v4, v33;
	v11 =	vpop (erf)  }
0x4b: {  	v5 =	vsel vm12, s26, v5;
	v8 =	vsel vm13, v3, v10;
	v6 =	vadd.f32 v6, v36;
	v10 =	vpop (erf)  }
0x4c: {  	s28 =	sadd.s32 $0x4, s13;
	v37 =	vld [tilespmem:s12+$0x90];
	vm11 =	vgt.f32 v53, v1;
	vm12 =	vgt.f32 v57, v0;
	v4 =	vmul.f32 v11, v4;
	v11 =	vpop (erf)  }
0x4d: {  	v1 =	vsel vm11, v53, v1;
	v9 =	vsel vm11, s28, v9;
	v6 =	vmul.f32 v11, v6  }
0x4e: {  	v0 =	vsel vm12, v57, v0;
	v1 =	vsel vm14, v52, v1;
	v4 =	vadd.f32 v4, v10;
	v10 =	vpop (erf)  }
0x4f: {  	v9 =	vsel vm14, v5, v9;
	v5 =	vsel vm14, s28, v5;
	v6 =	vadd.f32 v6, v10;
	v10 =	vld [tilespmem:s12+$0x100]  }
0x50: {  	v38 =	vsel vm15, v58, v0;
	v3 =	vsel vm13, s26, v3;
	v11 =	vsub.f32 v63, v7  }
0x51: {  	vm14 =	vgt.f32 v63, v1;
	v8 =	vsel vm12, s28, v8;
	vm13 =	vgt.f32 v37, v2  }
0x52: {  	v40 =	vld [tilespmem:s12+$0x110];
	v8 =	vsel vm15, v3, v8;
	v39 =	vsel vm13, v37, v2;
	v11 =	vmul.f32 $1.442695020e+00, v11;
	v0 =	vpop (erf)  }
0x53: {  	v3 =	vsel vm15, s28, v3;
	v4 =	vmul.f32 v0, v4;
	v0 =	vsub.f32 v2, v39  }
0x54: {  	(erf) = vpow2.f32 v11;
	v11 =	vsub.f32 v37, v39;
	vm15 =	vgt.f32 v10, v7  }
0x55: {  	v41 =	vld [tilespmem:s12+$0x180];
	vm11 =	vgt.f32 v37, v38;
	v43 =	vsel vm15, v10, v7;
	v0 =	vmul.f32 $1.442695020e+00, v0  }
0x56: {  	v42 =	vsel vm14, v63, v1;
	v1 =	vmul.f32 $1.442695020e+00, v11;
	v11 =	vsub.f32 v7, v43  }
0x57: {  	v44 =	vld [tilespmem:s12+$0x190];
	vm8 =	vgt.f32 v40, v39;
	(erf) = vpow2.f32 v0;
	v0 =	vsub.f32 v10, v43  }
0x58: {  	s29 =	sadd.s32 $0x5, s13;
	(erf) = vpow2.f32 v1;
	v1 =	vmul.f32 $1.442695020e+00, v11;
	v11 =	vsel vm8, v40, v39  }
0x59: {  	v9 =	vsel vm14, s29, v9;
	v0 =	vmul.f32 $1.442695020e+00, v0;
	v45 =	vsub.f32 v39, v11  }
0x5a: {  	vm9 =	vgt.f32 v41, v43;
	v46 =	vsub.f32 v40, v11;
	(erf) = vpow2.f32 v1  }
0x5b: {  	v1 =	vsel vm9, v41, v43;
	(erf) = vpow2.f32 v0;
	v0 =	vmul.f32 $1.442695020e+00, v45  }
0x5c: {  	vm10 =	vgt.f32 v44, v11;
	v47 =	vsub.f32 v43, v1;
	v22 =	vmul.f32 $1.442695020e+00, v46  }
0x5d: {  	v48 =	vsub.f32 v41, v1;
	(erf) = vpow2.f32 v0;
	v0 =	vsel vm10, v44, v11  }
0x5e: {  	v12 =	vsel vm11, v37, v38;
	v21 =	vmul.f32 $1.442695020e+00, v47;
	v51 =	vsub.f32 v11, v0  }
0x5f: {  	v16 =	vsel vm0, v59, v42;
	v50 =	vmul.f32 $1.442695020e+00, v48;
	(erf) = vpow2.f32 v22  }
0x60: {  	v53 =	vsub.f32 v44, v0;
	(erf) = vpow2.f32 v21;
	v52 =	vmul.f32 $1.442695020e+00, v51  }
0x61: {  	v9 =	vsel vm0, v5, v9;
	v5 =	vsel vm0, s29, v5;
	v49 =	vpop (erf);
	(erf) = vpow2.f32 v50  }
0x62: {  	v8 =	vsel vm11, s29, v8;
	v54 =	vpop (erf);
	v55 =	vmul.f32 $1.442695020e+00, v53;
	(erf) = vpow2.f32 v52  }
0x63: {  	v8 =	vsel vm13, v3, v8;
	v3 =	vsel vm13, s29, v3;
	v56 =	vpop (erf);
	v6 =	vmul.f32 v54, v6  }
0x64: {  	s30 =	sadd.s32 $0x6, s13;
	vm12 =	vgt.f32 v10, v16;
	v4 =	vadd.f32 v4, v49;
	v57 =	vpop (erf);
	(erf) = vpow2.f32 v55  }
0x65: {  	v61 =	vsel vm8, s30, v3;
	v10 =	vsel vm12, v10, v16;
	v6 =	vadd.f32 v6, v56;
	v58 =	vpop (erf)  }
0x66: {  	v2 =	vsel vm13, v2, v12;
	v9 =	vsel vm12, s30, v9;
	v4 =	vmul.f32 v57, v4;
	v59 =	vpop (erf)  }
0x67: {  	vm13 =	vgt.f32 v40, v2;
	v9 =	vsel vm15, v5, v9;
	v6 =	vmul.f32 v59, v6  }
0x68: {  	v5 =	vsel vm15, s30, v5;
	v7 =	vsel vm15, v7, v10;
	v4 =	vadd.f32 v4, v58;
	v10 =	vpop (erf)  }
0x69: {  	v2 =	vsel vm13, v40, v2;
	v8 =	vsel vm13, s30, v8;
	v60 =	vpop (erf);
	v6 =	vadd.f32 v6, v10  }
0x6a: {  	p0 =	slt.u32 s13, $0x38;
	v2 =	vsel vm8, v39, v2;
	vm14 =	vgt.f32 v41, v7;
	v10 =	vpop (erf);
	v4 =	vmul.f32 v60, v4  }
.Ltmp1:
0x6b: {  	s31 =	sadd.s32 $0x7, s13;
	v3 =	vsel vm8, v3, v8;
	vm15 =	vgt.f32 v44, v2;
	v7 =	vsel vm14, v41, v7;
	v63 =	vpop (erf);
	(pc) =	sbr.rel @p0 .LBB2_3-.Ltmp1, $4  }
0x6c: {  	v62 =	vsel vm14, s31, v9;
	v9 =	vadd.f32 v4, v10;
	v4 =	vmul.f32 v63, v6  }
0x6d: {  	v2 =	vsel vm15, v44, v2;
	v3 =	vsel vm15, s31, v3;
	v8 =	vsel vm9, v43, v7;
	v6 =	vpop (erf)  }
0x6e: {  	v7 =	vsel vm9, v5, v62;
	v5 =	vsel vm9, s31, v5;
	v6 =	vadd.f32 v4, v6  }
0x6f: {  	s13 =	sadd.s32 $0x8, s13;
	s12 =	sadd.s32 $0x400, s12;
	v4 =	vsel vm10, v11, v2;
	v2 =	vsel vm10, v61, v3;
	v3 =	vsel vm10, s31, v61  }
0x70: {  	v1 =	vsub.f32 v8, v1  }
0x71: {  	v0 =	vsub.f32 v4, v0  }
0x72: {  	(erf) = vrcp.f32 v9;
	v1 =	vmul.f32 $1.442695020e+00, v1  }
0x73: {  	(erf) = vrcp.f32 v6;
	v0 =	vmul.f32 $1.442695020e+00, v0  }
0x74: {  	(erf) = vpow2.f32 v1  }
0x75: {  	(erf) = vpow2.f32 v0;
	_ =	sdelay $0x4  }
0x76: {  	[tilespmem:$0x2000] =	vst v5  }
0x77: {  	[tilespmem:$0x2010] =	vst v3;
	v60 =	vpop (erf)  }
0x78: {  	[tilespmem:$0x2080] =	vst v7;
	v61 =	vpop (erf)  }
0x79: {  	[tilespmem:$0x2090] =	vst v2;
	v62 =	vpop (erf)  }
0x7a: {  	[tilespmem:$0x2100] =	vst v60;
	v0 =	vmul.f32 v60, v62;
	v63 =	vpop (erf)  }
0x7b: {  	[tilespmem:$0x2110] =	vst v61;
	v1 =	vmul.f32 v61, v63  }
0x7c: {  	[tilespmem:$0x2180] =	vst v0  }
0x7d: {  	[tilespmem:$0x2190] =	vst v1  }
0x7e: {  	[hbm4b:s3+s6] =	stream.linear.scatter [tilespmem:s8], [sflag:$0x1], $0x100, $0x38;
	[tilespmem:$0x2200] =	vst v63  }
0x7f: {  	s11 =	sadd.s32 $0x1, s11  }
0x80: {  	[hbm4b:s4+s6] =	stream.linear.scatter [tilespmem:s9], [sflag:$0x1], $0x100, $0x38;
	[tilespmem:$0x2200] =	vst v63  }
0x81: {  	p0 =	sne.s32 s11, s5;
	_ =	swait.ge [sflag:s10], $0x100  }
.Ltmp2:
0x82: {  	[sflag:s10] =	ssyncset.done $0x0;
	(pc) =	sbr.rel @p0 .LBB2_2-.Ltmp2, $4  }
0x83: {  	[sflag:s10] =	ssyncadd.s32 $0xFFFFFF00  }
0x84: {  	_ =	swait.ge [sflag:s10], $0x100  }
0x85: {  	[sflag:s10] =	ssyncset.done $0x0  }
0x86: {  	[sflag:s10] =	ssyncadd.s32 $0xFFFFFF00  }
.LBB2_5:
0x87: {  	_ =	sfence.sel $0x180000  }
0x88: {  	[bflag:$0x0] =	sbarrier.arrive $0xFFFF  }
0x89: {  	p0 =	sne.s32 s0, $0x0;
	_ =	strace $0x90000047  }
0x8a: {  	s0 =	sadd.s32 @!p0 $0x100000, s2;
	[bflag:$0x2] =	sbarrier.arrive $0xFFFF  }
0x8b: {  	[sflag:s0] =	ssyncadd.tile.s32 @!p0 $0x1;
	_ =	shalt  }
.Lfunc_end2:
_tile_overlayer_lowered:
.L_overlay_start_2:
0x8c: {  	(tag) =	ssettag $0x2  }
0x8d: {  	s0 =	rddreg [dreg:$0x0];
	s2 =	stileid.u32  }
0x8e: {  	s1 =	rddreg [dreg:$0x1];
	p0 =	sne.s32 s2, $0x0  }
0x8f: {  	s3 =	rddreg [dreg:$0x2];
	[bflag:$0x3] =	sbarrier.arrive $0xFFFF;
	s2 =	simm.s32 @!p0 $0x1C02  }
0x90: {  	[timem:s3], [sflag:s2] =	dma.local @!p0 [hbm:s0], s1  }
0x91: {  	s0 =	simm.s32 @!p0 $0x2  }
0x92: {  	_ =	swait.ge @!p0 [sflag:s0], s1  }
0x93: {  	s1 =	ssub.s32 @!p0 $0x0, s1;
	[sflag:s0] =	ssyncset.done @!p0 $0x0  }
0x94: {  	[sflag:s0] =	ssyncadd.s32 @!p0 s1  }
0x95: {  	[bflag:$0x3] =	sbarrier.arrive $0xFFFF  }
0x96: {  	_ =	shalt  }

</sc_bundles>
